<compile_context>
chip_gen: v7x
topology: tpu7x:2x2x1
jax: 0.10.2.dev20260603
libtpu: 0.0.44.dev20260713+nightly
codegen_flags: <defaults>
</compile_context>

<pallas_src>
import functools

import jax
import jax.numpy as jnp
from jax import lax
from jax.experimental import pallas as pl
from jax.experimental.pallas import tpu as pltpu
from jax.experimental.pallas import tpu_sc as plsc

B, N, S, K = 2, 8192, 2048, 16
C = 16
LEAK = 0.1
EPS = 1e-5
R_ROWS = B * S * K



def _fps_body(xyz_ref, cols_ref, idx_ref, nxyz_ref):
    lin = (lax.broadcasted_iota(jnp.int32, (64, 128), 0) * 128
           + lax.broadcasted_iota(jnp.int32, (64, 128), 1))
    xs = [xyz_ref[b, c] for b in range(B) for c in range(3)]

    idx_ref[:, 0, :] = jnp.zeros((B, 1), jnp.int32)
    nxyz_ref[:, 0, :] = cols_ref[:, 0, :]
    c0 = cols_ref[0, 0:1, :]
    c1 = cols_ref[1, 0:1, :]
    d0 = jnp.full((64, 128), 1e10, dtype=jnp.float32)

    def step(b, dists, c, i):
        x, y, z = xs[3 * b], xs[3 * b + 1], xs[3 * b + 2]
        dx = x - c[0:1, 0:1]
        dy = y - c[0:1, 1:2]
        dz = z - c[0:1, 2:3]
        d = (dx * dx + dy * dy) + dz * dz
        dists = jnp.minimum(dists, d)
        m = jnp.max(dists)
        nxt = jnp.min(jnp.where(dists == m, lin, jnp.int32(2**30)))
        idx_ref[b, pl.ds(i, 1), 0:1] = nxt.reshape(1, 1)
        c = cols_ref[b, pl.ds(nxt, 1), :]
        nxyz_ref[b, pl.ds(i, 1), :] = c
        return dists, c

    def body(i, st):
        dists0, c0, dists1, c1 = st
        dists0, c0 = step(0, dists0, c0, i)
        dists1, c1 = step(1, dists1, c1, i)
        return dists0, c0, dists1, c1

    lax.fori_loop(1, S, body, (d0, c0, d0, c1))


def _fps_call(xyzr, cols, interpret=False):
    return pl.pallas_call(
        _fps_body,
        in_specs=[
            pl.BlockSpec((B, 3, 64, 128), lambda: (0, 0, 0, 0)),
            pl.BlockSpec((B, N, 3), lambda: (0, 0, 0)),
        ],
        out_specs=[
            pl.BlockSpec((B, S, 1), lambda: (0, 0, 0)),
            pl.BlockSpec((B, S, 3), lambda: (0, 0, 0)),
        ],
        out_shape=[
            jax.ShapeDtypeStruct((B, S, 1), jnp.int32),
            jax.ShapeDtypeStruct((B, S, 3), jnp.float32),
        ],
        interpret=interpret,
    )(xyzr, cols)



BQ = 256

def _knn_body(q_ref, xyz_ref, gidx_ref):
    b = pl.program_id(0)
    xp = xyz_ref[0]
    q = q_ref[0]
    mm = jax.lax.dot_general(q, xp[0:3], (((1,), (0,)), ((), ())),
                             preferred_element_type=jnp.float32)
    qsq = (q[:, 0:1] * q[:, 0:1] + q[:, 1:2] * q[:, 1:2]) + q[:, 2:3] * q[:, 2:3]
    xsq = (xp[0:1] * xp[0:1] + xp[1:2] * xp[1:2]) + xp[2:3] * xp[2:3]
    dist = -2.0 * mm
    dist = dist + qsq
    dist = dist + xsq
    col = lax.broadcasted_iota(jnp.int32, (BQ, N), 1)
    cols = []
    for _ in range(K):
        m = jnp.min(dist, axis=1, keepdims=True)
        j = jnp.min(jnp.where(dist <= m, col, jnp.int32(2**30)),
                    axis=1, keepdims=True)
        cols.append(j)
        dist = jnp.where(col == j, jnp.float32(3e38), dist)
    gidx_ref[0] = jnp.concatenate(cols, axis=1) + b * N


def _knn_call(qmat, xyz8, interpret=False):
    return pl.pallas_call(
        _knn_body,
        grid=(B, S // BQ),
        in_specs=[
            pl.BlockSpec((1, BQ, 3), lambda b, s: (b, s, 0)),
            pl.BlockSpec((1, 8, N), lambda b, s: (b, 0, 0)),
        ],
        out_specs=pl.BlockSpec((1, BQ, K), lambda b, s: (b, s, 0)),
        out_shape=jax.ShapeDtypeStruct((B, S, K), jnp.int32),
        interpret=interpret,
    )(qmat, xyz8)



NW = 32
RPW = R_ROWS // NW
NCH = RPW // 128


def _sc_gather(table, gidx3):
    mesh = plsc.VectorSubcoreMesh(core_axis_name="c", subcore_axis_name="s")

    @functools.partial(
        pl.kernel,
        mesh=mesh,
        out_type=jax.ShapeDtypeStruct((NW, RPW, C), jnp.float32),
        scratch_types=[
            pltpu.VMEM((NCH, 128), jnp.int32),
            pltpu.VMEM((RPW, C), jnp.float32),
            pltpu.SemaphoreType.DMA,
        ],
        compiler_params=pltpu.CompilerParams(use_tc_tiling_on_sc=False),
    )
    def k(table_hbm, gidx_hbm, out_hbm, idx_v, rows_v, sem):
        wid = lax.axis_index("s") * 2 + lax.axis_index("c")
        pltpu.sync_copy(gidx_hbm.at[wid], idx_v)
        copies = [
            pltpu.async_copy(table_hbm.at[idx_v.at[j]],
                             rows_v.at[pl.ds(j * 128, 128)], sem)
            for j in range(NCH)
        ]
        for c_ in copies:
            c_.wait()
        pltpu.sync_copy(rows_v, out_hbm.at[wid])

    return k(table, gidx3)



PQ = 512
NB = (B * S) // PQ


def _p1_body(g_ref, q_ref, m1_ref, m2_ref):
    x3 = g_ref[...].reshape(PQ, K, C) - q_ref[...][:, None, :]
    xf = x3.reshape(PQ * K, C)
    s1 = jnp.sum(xf, axis=0, keepdims=True)
    s2 = jax.lax.dot_general(xf, xf, (((0,), (0,)), ((), ())),
                             preferred_element_type=jnp.float32)

    @pl.when(pl.program_id(0) == 0)
    def _():
        m1_ref[...] = jnp.zeros_like(m1_ref)
        m2_ref[...] = jnp.zeros_like(m2_ref)

    m1_ref[...] += s1
    m2_ref[...] += s2


def _p1_call(grouped, nxyzp, interpret=False):
    return pl.pallas_call(
        _p1_body,
        grid=(NB,),
        in_specs=[
            pl.BlockSpec((PQ * K, C), lambda i: (i, 0)),
            pl.BlockSpec((PQ, C), lambda i: (i, 0)),
        ],
        out_specs=[
            pl.BlockSpec((1, C), lambda i: (0, 0)),
            pl.BlockSpec((C, C), lambda i: (0, 0)),
        ],
        out_shape=[
            jax.ShapeDtypeStruct((1, C), jnp.float32),
            jax.ShapeDtypeStruct((C, C), jnp.float32),
        ],
        interpret=interpret,
    )(grouped, nxyzp)


def _p2_body(g_ref, q_ref, wkt_ref, m1_ref, m2_ref, gk_ref, bk_ref, wa_ref,
             agg_ref, sums_ref):
    wkt = wkt_ref[...]
    rinv = jnp.float32(1.0 / R_ROWS)
    mean = jnp.dot(m1_ref[...], wkt,
                   preferred_element_type=jnp.float32) * rinv
    a = jnp.dot(m2_ref[...], wkt, preferred_element_type=jnp.float32)
    e2 = jnp.sum(a * wkt, axis=0, keepdims=True) * rinv
    var = e2 - mean * mean
    scl = gk_ref[...] / jnp.sqrt(var + EPS)
    sh = bk_ref[...] - mean * scl

    x3 = g_ref[...].reshape(PQ, K, C) - q_ref[...][:, None, :]
    xf = x3.reshape(PQ * K, C)
    pre = jnp.dot(xf, wkt, preferred_element_type=jnp.float32)
    kern = pre * scl + sh
    kern = jnp.where(kern >= 0, kern, LEAK * kern)
    t = jnp.dot(xf, wa_ref[...], preferred_element_type=jnp.float32)
    wk = (kern * t).reshape(PQ, K, C)
    agg = jnp.sum(wk, axis=1)
    agg_ref[...] = agg
    lane = lax.broadcasted_iota(jnp.int32, (1, 128), 1)
    ps = (jnp.where(lane == 0, jnp.sum(agg), 0.0)
          + jnp.where(lane == 1, jnp.sum(agg * agg), 0.0))

    @pl.when(pl.program_id(0) == 0)
    def _():
        sums_ref[...] = jnp.zeros_like(sums_ref)

    sums_ref[...] += ps


def _p2_call(grouped, nxyzp, wkt, m1, m2, gk, bk, wa, interpret=False):
    return pl.pallas_call(
        _p2_body,
        grid=(NB,),
        in_specs=[
            pl.BlockSpec((PQ * K, C), lambda i: (i, 0)),
            pl.BlockSpec((PQ, C), lambda i: (i, 0)),
            pl.BlockSpec((C, C), lambda i: (0, 0)),
            pl.BlockSpec((1, C), lambda i: (0, 0)),
            pl.BlockSpec((C, C), lambda i: (0, 0)),
            pl.BlockSpec((1, C), lambda i: (0, 0)),
            pl.BlockSpec((1, C), lambda i: (0, 0)),
            pl.BlockSpec((C, 1), lambda i: (0, 0)),
        ],
        out_specs=[
            pl.BlockSpec((PQ, C), lambda i: (i, 0)),
            pl.BlockSpec((1, 128), lambda i: (0, 0)),
        ],
        out_shape=[
            jax.ShapeDtypeStruct((B * S, C), jnp.float32),
            jax.ShapeDtypeStruct((1, 128), jnp.float32),
        ],
        interpret=interpret,
    )(grouped, nxyzp, wkt, m1, m2, gk, bk, wa)


def _p3_body(agg_ref, sums_ref, wlt_ref, bl_ref, ga_ref, ba_ref, out_ref):
    cnt = jnp.float32(1.0 / (B * S * C))
    m = sums_ref[0, 0] * cnt
    v = sums_ref[0, 1] * cnt - m * m
    a = (agg_ref[...] - m) / jnp.sqrt(v + EPS) * ga_ref[0, 0] + ba_ref[0, 0]
    a = jnp.where(a >= 0, a, LEAK * a)
    f = jnp.dot(a, wlt_ref[...], preferred_element_type=jnp.float32) \
        + bl_ref[...]
    out_ref[...] = jnp.where(f >= 0, f, LEAK * f)


def _p3_call(agg, sums, wlt, bl, ga, ba, interpret=False):
    return pl.pallas_call(
        _p3_body,
        in_specs=[
            pl.BlockSpec((B * S, C), lambda: (0, 0)),
            pl.BlockSpec((1, 128), lambda: (0, 0)),
            pl.BlockSpec((C, C), lambda: (0, 0)),
            pl.BlockSpec((1, C), lambda: (0, 0)),
            pl.BlockSpec((1, 1), lambda: (0, 0)),
            pl.BlockSpec((1, 1), lambda: (0, 0)),
        ],
        out_specs=pl.BlockSpec((B * S, C), lambda: (0, 0)),
        out_shape=jax.ShapeDtypeStruct((B * S, C), jnp.float32),
        interpret=interpret,
    )(agg, sums, wlt, bl, ga, ba)



def kernel(xyz, points, W_kernel, gamma_k, beta_k, W_agg, gamma_a, beta_a,
           W_lin, b_lin):
    xyzr = xyz.reshape(B, 3, 64, 128)
    cols = xyz.transpose(0, 2, 1)
    fps_i, fps_c = _fps_call(xyzr, cols)
    fps_idx = fps_i.reshape(B, S)
    qmat = fps_c
    new_xyz = fps_c.transpose(0, 2, 1)

    xyz8 = jnp.pad(xyz, ((0, 0), (0, 5), (0, 0)))
    gidx = _knn_call(qmat, xyz8)

    table = jnp.concatenate([xyz, points], axis=1) \
        .transpose(0, 2, 1).reshape(B * N, C)
    gidx3 = gidx.reshape(NW, NCH, 128)
    grouped = _sc_gather(table, gidx3).reshape(R_ROWS, C)

    nxyzp = jnp.pad(new_xyz.transpose(0, 2, 1), ((0, 0), (0, 0), (0, C - 3))
                    ).reshape(B * S, C)
    m1, m2 = _p1_call(grouped, nxyzp)
    agg, sums = _p2_call(grouped, nxyzp, W_kernel.T, m1, m2,
                         gamma_k.reshape(1, C), beta_k.reshape(1, C),
                         W_agg.reshape(C, 1))
    feat = _p3_call(agg, sums, W_lin.T, b_lin.reshape(1, C),
                    gamma_a.reshape(1, 1), beta_a.reshape(1, 1))
    new_feat = feat.reshape(B, S, C).transpose(0, 2, 1)
    return (new_xyz, new_feat, fps_idx)

# --- scband reference (transcript-rebuilt; emitter-appended) ---
"""Pipeline reference for scband-point-conv-k-25220047962578 (READ-ONLY COPY).

The authoritative reference and input builder live on the scoring server;
editing this copy changes nothing except your own understanding.
"""

import jax, jax.numpy as jnp
import numpy as np

LEAKY_RATE = 0.1
EPS = 1e-5
NPOINT = 2048
NSAMPLE = 16


def leaky_relu(x):
    return jnp.where(x >= 0, x, LEAKY_RATE * x)


def batch_norm(x, gamma, beta, axes):
    # training-mode batch norm (biased variance), channel-last layout
    mean = jnp.mean(x, axis=axes, keepdims=True)
    var = jnp.mean((x - mean) ** 2, axis=axes, keepdims=True)
    return (x - mean) / jnp.sqrt(var + EPS) * gamma + beta


def furthest_point_sample(xyz, npoint):
    # xyz: [B, N, 3], starts from index 0 like pointnet2_utils.furthest_point_sample
    B, N, _ = xyz.shape
    idxs = jnp.zeros((B, npoint), dtype=jnp.int32)
    dists = jnp.full((B, N), 1e10, dtype=xyz.dtype)
    last = jnp.zeros((B,), dtype=jnp.int32)

    def body(i, state):
        idxs, dists, last = state
        last_pt = jnp.take_along_axis(xyz, last[:, None, None], axis=1)  # [B,1,3]
        d = jnp.sum((xyz - last_pt) ** 2, axis=-1)  # [B,N]
        dists = jnp.minimum(dists, d)
        nxt = jnp.argmax(dists, axis=1).astype(jnp.int32)
        idxs = idxs.at[:, i].set(nxt)
        return (idxs, dists, nxt)

    idxs, _, _ = jax.lax.fori_loop(1, npoint, body, (idxs, dists, last))
    return idxs


def square_distance(src, dst):
    dist = -2.0 * jnp.matmul(src, dst.transpose(0, 2, 1))
    dist = dist + jnp.sum(src ** 2, axis=-1)[:, :, None]
    dist = dist + jnp.sum(dst ** 2, axis=-1)[:, None, :]
    return dist


def setup_inputs(seed: int = 0) -> dict:
    key = jax.random.key(seed)
    k1, k2, k3, k4, k5, k6 = jax.random.split(key, 6)
    B, N, D = 2, 8192, 13
    C_in, C_out = 16, 16
    xyz = jax.random.normal(k1, (B, 3, N), dtype=jnp.float32)
    points = jax.random.normal(k2, (B, D, N), dtype=jnp.float32)
    W_kernel = jax.random.normal(k3, (C_out, C_in), dtype=jnp.float32) * 0.1
    gamma_k = jnp.ones((C_out,), jnp.float32)
    beta_k = jnp.zeros((C_out,), jnp.float32)
    W_agg = jax.random.normal(k4, (1, C_in), dtype=jnp.float32) * 0.1
    gamma_a = jnp.ones((1,), jnp.float32)
    beta_a = jnp.zeros((1,), jnp.float32)
    W_lin = jax.random.normal(k5, (C_out, C_out), dtype=jnp.float32) * 0.1
    b_lin = jax.random.normal(k6, (C_out,), dtype=jnp.float32) * 0.01
    return {"xyz": xyz, "points": points, "W_kernel": W_kernel, "gamma_k": gamma_k,
            "beta_k": beta_k, "W_agg": W_agg, "gamma_a": gamma_a, "beta_a": beta_a,
            "W_lin": W_lin, "b_lin": b_lin}


def reference(xyz, points, W_kernel, gamma_k, beta_k, W_agg, gamma_a, beta_a, W_lin, b_lin):
    B = xyz.shape[0]
    xyz_t = xyz.transpose(0, 2, 1)      # [B,N,3]
    points_t = points.transpose(0, 2, 1)  # [B,N,D]
    fps_idx = furthest_point_sample(xyz_t, NPOINT)               # [B,S]
    new_xyz = jnp.take_along_axis(xyz_t, fps_idx[:, :, None], axis=1)  # [B,S,3]
    sqrdists = square_distance(new_xyz, xyz_t)                   # [B,S,N]
    _, idx = jax.lax.top_k(-sqrdists, NSAMPLE)                   # [B,S,K]
    bidx = jnp.arange(B)[:, None, None]
    grouped_xyz = xyz_t[bidx, idx]                               # [B,S,K,3]
    grouped_xyz_norm = grouped_xyz - new_xyz[:, :, None, :]
    grouped_points = points_t[bidx, idx]                         # [B,S,K,D]
    new_points = jnp.concatenate([grouped_xyz_norm, grouped_points], axis=-1)  # [B,S,K,Cin]
    # kernel branch: 1x1 conv (no bias) + BN (training mode) + leaky relu
    kern = jnp.einsum('bskc,oc->bsko', new_points, W_kernel)     # [B,S,K,Cout]
    kern = batch_norm(kern, gamma_k, beta_k, (0, 1, 2))
    kern = leaky_relu(kern)
    kern = kern.transpose(0, 1, 3, 2)                            # [B,S,Cout,K]
    aggregation = jnp.matmul(kern, new_points)                   # [B,S,Cout,Cin]
    agg = jnp.einsum('bsoc,c->bso', aggregation, W_agg[0])       # [B,S,Cout]
    # BN2d with 1 channel -> normalize over all elements
    m = jnp.mean(agg)
    v = jnp.mean((agg - m) ** 2)
    agg = (agg - m) / jnp.sqrt(v + EPS) * gamma_a[0] + beta_a[0]
    agg = leaky_relu(agg)
    new_feat = agg @ W_lin.T + b_lin                             # [B,S,Cout]
    new_feat = new_feat.transpose(0, 2, 1)                       # [B,Cout,S]
    new_feat = leaky_relu(new_feat)
    return (new_xyz.transpose(0, 2, 1), new_feat, fps_idx)

if __name__ == "__main__":
    import jax
    _d = setup_inputs()
    print(jax.jit(kernel)(*tuple(_d.values())))

</pallas_src>

<mosaic_0001>
#map = affine_map<(d0, d1) -> (0, 0)>
#map1 = affine_map<(d0, d1) -> (0, 0, 0)>
module attributes {stable_mosaic.version = 14 : i64} {
  func.func @k(%arg0: i32, %arg1: i32, %arg2: memref<16384x16xf32, #tpu.memory_space<hbm>>, %arg3: memref<32x16x128xi32, #tpu.memory_space<hbm>>, %arg4: memref<32x2048x16xf32, #tpu.memory_space<hbm>>, %arg5: memref<16x128xi32, #tpu.memory_space<vmem>>, %arg6: memref<2048x16xf32, #tpu.memory_space<vmem>>, %arg7: memref<!tpu.dma_semaphore, #tpu.memory_space<semaphore_mem>>) attributes {dimension_semantics = [#tpu.dimension_semantics<core_parallel>, #tpu.dimension_semantics<subcore_parallel>], iteration_bounds = array<i64: 2, 16>, scalar_prefetch = 0 : i64, scratch_operands = 3 : i64, tpu.core_type = #tpu.core_type<sc_vector_subcore>, window_params = [{transform_indices = #map}, {transform_indices = #map1}, {transform_indices = #map1}]} {
    %mul3A = arith.constant 2 : i32
    %mul3A_0 = arith.muli %arg1, %mul3A : i32
    %add3A = arith.addi %mul3A_0, %arg0 : i32
    "tpu.region"() ({
      %run_scoped3A = tpu.sem_alloc : memref<!tpu.dma_semaphore, #tpu.memory_space<semaphore_mem>>
      %dma_start3A_319 = arith.constant 0 : i32
      %dma_start3A_320 = arith.constant 0 : i32
      %dma_start3A_321 = tpu.memref_slice %arg3[%add3A, %dma_start3A_319, %dma_start3A_320] : memref<32x16x128xi32, #tpu.memory_space<hbm>> -> memref<1x16x128xi32, #tpu.memory_space<hbm>>
      %dma_start3A_322 = tpu.memref_squeeze %dma_start3A_321 : memref<1x16x128xi32, #tpu.memory_space<hbm>> -> memref<16x128xi32, #tpu.memory_space<hbm>>
      %dma_start3A_323 = arith.constant 0 : i32
      %dma_start3A_324 = arith.constant 0 : i32
      %dma_start3A_325 = tpu.memref_slice %arg3[%add3A, %dma_start3A_323, %dma_start3A_324] : memref<32x16x128xi32, #tpu.memory_space<hbm>> -> memref<1x16x128xi32, #tpu.memory_space<hbm>>
      %dma_start3A_326 = tpu.memref_squeeze %dma_start3A_325 : memref<1x16x128xi32, #tpu.memory_space<hbm>> -> memref<16x128xi32, #tpu.memory_space<hbm>>
      tpu.enqueue_dma source(%dma_start3A_326 : memref<16x128xi32, #tpu.memory_space<hbm>>) target(%arg5 : memref<16x128xi32, #tpu.memory_space<vmem>>) target_semaphore(%run_scoped3A : memref<!tpu.dma_semaphore, #tpu.memory_space<semaphore_mem>>)
      %dma_wait3A_327 = arith.constant 0 : i32
      %dma_wait3A_328 = arith.constant 0 : i32
      %dma_wait3A_329 = tpu.memref_slice %arg3[%add3A, %dma_wait3A_327, %dma_wait3A_328] : memref<32x16x128xi32, #tpu.memory_space<hbm>> -> memref<1x16x128xi32, #tpu.memory_space<hbm>>
      %dma_wait3A_330 = tpu.memref_squeeze %dma_wait3A_329 : memref<1x16x128xi32, #tpu.memory_space<hbm>> -> memref<16x128xi32, #tpu.memory_space<hbm>>
      %dma_wait3A_331 = arith.constant 0 : i32
      %dma_wait3A_332 = arith.constant 0 : i32
      %dma_wait3A_333 = tpu.memref_slice %arg3[%add3A, %dma_wait3A_331, %dma_wait3A_332] : memref<32x16x128xi32, #tpu.memory_space<hbm>> -> memref<1x16x128xi32, #tpu.memory_space<hbm>>
      %dma_wait3A_334 = tpu.memref_squeeze %dma_wait3A_333 : memref<1x16x128xi32, #tpu.memory_space<hbm>> -> memref<16x128xi32, #tpu.memory_space<hbm>>
      tpu.wait_dma2 semaphore(%run_scoped3A : memref<!tpu.dma_semaphore, #tpu.memory_space<semaphore_mem>>) src(%dma_wait3A_334 : memref<16x128xi32, #tpu.memory_space<hbm>>) dst(%arg5 : memref<16x128xi32, #tpu.memory_space<vmem>>)
      tpu.yield
    }) : () -> ()
    %dma_start3A = arith.constant 0 : i32
    %dma_start3A_1 = arith.constant 0 : i32
    %dma_start3A_2 = arith.constant 0 : i32
    %dma_start3A_3 = tpu.memref_slice %arg6[%dma_start3A_1, %dma_start3A_2] : memref<2048x16xf32, #tpu.memory_space<vmem>> -> memref<128x16xf32, #tpu.memory_space<vmem>>
    %dma_start3A_4 = arith.constant 0 : i32
    %dma_start3A_5 = tpu.memref_slice %arg5[%dma_start3A, %dma_start3A_4] : memref<16x128xi32, #tpu.memory_space<vmem>> -> memref<1x128xi32, #tpu.memory_space<vmem>>
    %dma_start3A_6 = tpu.memref_squeeze %dma_start3A_5 : memref<1x128xi32, #tpu.memory_space<vmem>> -> memref<128xi32, #tpu.memory_space<vmem>>
    %dma_start3A_7 = arith.constant 0 : i32
    %dma_start3A_8 = arith.constant 0 : i32
    %dma_start3A_9 = tpu.memref_slice %arg2[%dma_start3A_7, %dma_start3A_8] : memref<16384x16xf32, #tpu.memory_space<hbm>> -> memref<16384x16xf32, #tpu.memory_space<hbm>>
    tpu.enqueue_indirect_dma source(%dma_start3A_9 : memref<16384x16xf32, #tpu.memory_space<hbm>>) target(%dma_start3A_3 : memref<128x16xf32, #tpu.memory_space<vmem>>) offsets(%dma_start3A_6 : memref<128xi32, #tpu.memory_space<vmem>>) semaphore(%arg7 : memref<!tpu.dma_semaphore, #tpu.memory_space<semaphore_mem>>)
    %dma_start3A_10 = arith.constant 1 : i32
    %dma_start3A_11 = arith.constant 128 : i32
    %dma_start3A_12 = arith.constant 0 : i32
    %dma_start3A_13 = tpu.memref_slice %arg6[%dma_start3A_11, %dma_start3A_12] : memref<2048x16xf32, #tpu.memory_space<vmem>> -> memref<128x16xf32, #tpu.memory_space<vmem>>
    %dma_start3A_14 = arith.constant 0 : i32
    %dma_start3A_15 = tpu.memref_slice %arg5[%dma_start3A_10, %dma_start3A_14] : memref<16x128xi32, #tpu.memory_space<vmem>> -> memref<1x128xi32, #tpu.memory_space<vmem>>
    %dma_start3A_16 = tpu.memref_squeeze %dma_start3A_15 : memref<1x128xi32, #tpu.memory_space<vmem>> -> memref<128xi32, #tpu.memory_space<vmem>>
    %dma_start3A_17 = arith.constant 0 : i32
    %dma_start3A_18 = arith.constant 0 : i32
    %dma_start3A_19 = tpu.memref_slice %arg2[%dma_start3A_17, %dma_start3A_18] : memref<16384x16xf32, #tpu.memory_space<hbm>> -> memref<16384x16xf32, #tpu.memory_space<hbm>>
    tpu.enqueue_indirect_dma source(%dma_start3A_19 : memref<16384x16xf32, #tpu.memory_space<hbm>>) target(%dma_start3A_13 : memref<128x16xf32, #tpu.memory_space<vmem>>) offsets(%dma_start3A_16 : memref<128xi32, #tpu.memory_space<vmem>>) semaphore(%arg7 : memref<!tpu.dma_semaphore, #tpu.memory_space<semaphore_mem>>)
    %dma_start3A_20 = arith.constant 2 : i32
    %dma_start3A_21 = arith.constant 256 : i32
    %dma_start3A_22 = arith.constant 0 : i32
    %dma_start3A_23 = tpu.memref_slice %arg6[%dma_start3A_21, %dma_start3A_22] : memref<2048x16xf32, #tpu.memory_space<vmem>> -> memref<128x16xf32, #tpu.memory_space<vmem>>
    %dma_start3A_24 = arith.constant 0 : i32
    %dma_start3A_25 = tpu.memref_slice %arg5[%dma_start3A_20, %dma_start3A_24] : memref<16x128xi32, #tpu.memory_space<vmem>> -> memref<1x128xi32, #tpu.memory_space<vmem>>
    %dma_start3A_26 = tpu.memref_squeeze %dma_start3A_25 : memref<1x128xi32, #tpu.memory_space<vmem>> -> memref<128xi32, #tpu.memory_space<vmem>>
    %dma_start3A_27 = arith.constant 0 : i32
    %dma_start3A_28 = arith.constant 0 : i32
    %dma_start3A_29 = tpu.memref_slice %arg2[%dma_start3A_27, %dma_start3A_28] : memref<16384x16xf32, #tpu.memory_space<hbm>> -> memref<16384x16xf32, #tpu.memory_space<hbm>>
    tpu.enqueue_indirect_dma source(%dma_start3A_29 : memref<16384x16xf32, #tpu.memory_space<hbm>>) target(%dma_start3A_23 : memref<128x16xf32, #tpu.memory_space<vmem>>) offsets(%dma_start3A_26 : memref<128xi32, #tpu.memory_space<vmem>>) semaphore(%arg7 : memref<!tpu.dma_semaphore, #tpu.memory_space<semaphore_mem>>)
    %dma_start3A_30 = arith.constant 3 : i32
    %dma_start3A_31 = arith.constant 384 : i32
    %dma_start3A_32 = arith.constant 0 : i32
    %dma_start3A_33 = tpu.memref_slice %arg6[%dma_start3A_31, %dma_start3A_32] : memref<2048x16xf32, #tpu.memory_space<vmem>> -> memref<128x16xf32, #tpu.memory_space<vmem>>
    %dma_start3A_34 = arith.constant 0 : i32
    %dma_start3A_35 = tpu.memref_slice %arg5[%dma_start3A_30, %dma_start3A_34] : memref<16x128xi32, #tpu.memory_space<vmem>> -> memref<1x128xi32, #tpu.memory_space<vmem>>
    %dma_start3A_36 = tpu.memref_squeeze %dma_start3A_35 : memref<1x128xi32, #tpu.memory_space<vmem>> -> memref<128xi32, #tpu.memory_space<vmem>>
    %dma_start3A_37 = arith.constant 0 : i32
    %dma_start3A_38 = arith.constant 0 : i32
    %dma_start3A_39 = tpu.memref_slice %arg2[%dma_start3A_37, %dma_start3A_38] : memref<16384x16xf32, #tpu.memory_space<hbm>> -> memref<16384x16xf32, #tpu.memory_space<hbm>>
    tpu.enqueue_indirect_dma source(%dma_start3A_39 : memref<16384x16xf32, #tpu.memory_space<hbm>>) target(%dma_start3A_33 : memref<128x16xf32, #tpu.memory_space<vmem>>) offsets(%dma_start3A_36 : memref<128xi32, #tpu.memory_space<vmem>>) semaphore(%arg7 : memref<!tpu.dma_semaphore, #tpu.memory_space<semaphore_mem>>)
    %dma_start3A_40 = arith.constant 4 : i32
    %dma_start3A_41 = arith.constant 512 : i32
    %dma_start3A_42 = arith.constant 0 : i32
    %dma_start3A_43 = tpu.memref_slice %arg6[%dma_start3A_41, %dma_start3A_42] : memref<2048x16xf32, #tpu.memory_space<vmem>> -> memref<128x16xf32, #tpu.memory_space<vmem>>
    %dma_start3A_44 = arith.constant 0 : i32
    %dma_start3A_45 = tpu.memref_slice %arg5[%dma_start3A_40, %dma_start3A_44] : memref<16x128xi32, #tpu.memory_space<vmem>> -> memref<1x128xi32, #tpu.memory_space<vmem>>
    %dma_start3A_46 = tpu.memref_squeeze %dma_start3A_45 : memref<1x128xi32, #tpu.memory_space<vmem>> -> memref<128xi32, #tpu.memory_space<vmem>>
    %dma_start3A_47 = arith.constant 0 : i32
    %dma_start3A_48 = arith.constant 0 : i32
    %dma_start3A_49 = tpu.memref_slice %arg2[%dma_start3A_47, %dma_start3A_48] : memref<16384x16xf32, #tpu.memory_space<hbm>> -> memref<16384x16xf32, #tpu.memory_space<hbm>>
    tpu.enqueue_indirect_dma source(%dma_start3A_49 : memref<16384x16xf32, #tpu.memory_space<hbm>>) target(%dma_start3A_43 : memref<128x16xf32, #tpu.memory_space<vmem>>) offsets(%dma_start3A_46 : memref<128xi32, #tpu.memory_space<vmem>>) semaphore(%arg7 : memref<!tpu.dma_semaphore, #tpu.memory_space<semaphore_mem>>)
    %dma_start3A_50 = arith.constant 5 : i32
    %dma_start3A_51 = arith.constant 640 : i32
    %dma_start3A_52 = arith.constant 0 : i32
    %dma_start3A_53 = tpu.memref_slice %arg6[%dma_start3A_51, %dma_start3A_52] : memref<2048x16xf32, #tpu.memory_space<vmem>> -> memref<128x16xf32, #tpu.memory_space<vmem>>
    %dma_start3A_54 = arith.constant 0 : i32
    %dma_start3A_55 = tpu.memref_slice %arg5[%dma_start3A_50, %dma_start3A_54] : memref<16x128xi32, #tpu.memory_space<vmem>> -> memref<1x128xi32, #tpu.memory_space<vmem>>
    %dma_start3A_56 = tpu.memref_squeeze %dma_start3A_55 : memref<1x128xi32, #tpu.memory_space<vmem>> -> memref<128xi32, #tpu.memory_space<vmem>>
    %dma_start3A_57 = arith.constant 0 : i32
    %dma_start3A_58 = arith.constant 0 : i32
    %dma_start3A_59 = tpu.memref_slice %arg2[%dma_start3A_57, %dma_start3A_58] : memref<16384x16xf32, #tpu.memory_space<hbm>> -> memref<16384x16xf32, #tpu.memory_space<hbm>>
    tpu.enqueue_indirect_dma source(%dma_start3A_59 : memref<16384x16xf32, #tpu.memory_space<hbm>>) target(%dma_start3A_53 : memref<128x16xf32, #tpu.memory_space<vmem>>) offsets(%dma_start3A_56 : memref<128xi32, #tpu.memory_space<vmem>>) semaphore(%arg7 : memref<!tpu.dma_semaphore, #tpu.memory_space<semaphore_mem>>)
    %dma_start3A_60 = arith.constant 6 : i32
    %dma_start3A_61 = arith.constant 768 : i32
    %dma_start3A_62 = arith.constant 0 : i32
    %dma_start3A_63 = tpu.memref_slice %arg6[%dma_start3A_61, %dma_start3A_62] : memref<2048x16xf32, #tpu.memory_space<vmem>> -> memref<128x16xf32, #tpu.memory_space<vmem>>
    %dma_start3A_64 = arith.constant 0 : i32
    %dma_start3A_65 = tpu.memref_slice %arg5[%dma_start3A_60, %dma_start3A_64] : memref<16x128xi32, #tpu.memory_space<vmem>> -> memref<1x128xi32, #tpu.memory_space<vmem>>
    %dma_start3A_66 = tpu.memref_squeeze %dma_start3A_65 : memref<1x128xi32, #tpu.memory_space<vmem>> -> memref<128xi32, #tpu.memory_space<vmem>>
    %dma_start3A_67 = arith.constant 0 : i32
    %dma_start3A_68 = arith.constant 0 : i32
    %dma_start3A_69 = tpu.memref_slice %arg2[%dma_start3A_67, %dma_start3A_68] : memref<16384x16xf32, #tpu.memory_space<hbm>> -> memref<16384x16xf32, #tpu.memory_space<hbm>>
    tpu.enqueue_indirect_dma source(%dma_start3A_69 : memref<16384x16xf32, #tpu.memory_space<hbm>>) target(%dma_start3A_63 : memref<128x16xf32, #tpu.memory_space<vmem>>) offsets(%dma_start3A_66 : memref<128xi32, #tpu.memory_space<vmem>>) semaphore(%arg7 : memref<!tpu.dma_semaphore, #tpu.memory_space<semaphore_mem>>)
    %dma_start3A_70 = arith.constant 7 : i32
    %dma_start3A_71 = arith.constant 896 : i32
    %dma_start3A_72 = arith.constant 0 : i32
    %dma_start3A_73 = tpu.memref_slice %arg6[%dma_start3A_71, %dma_start3A_72] : memref<2048x16xf32, #tpu.memory_space<vmem>> -> memref<128x16xf32, #tpu.memory_space<vmem>>
    %dma_start3A_74 = arith.constant 0 : i32
    %dma_start3A_75 = tpu.memref_slice %arg5[%dma_start3A_70, %dma_start3A_74] : memref<16x128xi32, #tpu.memory_space<vmem>> -> memref<1x128xi32, #tpu.memory_space<vmem>>
    %dma_start3A_76 = tpu.memref_squeeze %dma_start3A_75 : memref<1x128xi32, #tpu.memory_space<vmem>> -> memref<128xi32, #tpu.memory_space<vmem>>
    %dma_start3A_77 = arith.constant 0 : i32
    %dma_start3A_78 = arith.constant 0 : i32
    %dma_start3A_79 = tpu.memref_slice %arg2[%dma_start3A_77, %dma_start3A_78] : memref<16384x16xf32, #tpu.memory_space<hbm>> -> memref<16384x16xf32, #tpu.memory_space<hbm>>
    tpu.enqueue_indirect_dma source(%dma_start3A_79 : memref<16384x16xf32, #tpu.memory_space<hbm>>) target(%dma_start3A_73 : memref<128x16xf32, #tpu.memory_space<vmem>>) offsets(%dma_start3A_76 : memref<128xi32, #tpu.memory_space<vmem>>) semaphore(%arg7 : memref<!tpu.dma_semaphore, #tpu.memory_space<semaphore_mem>>)
    %dma_start3A_80 = arith.constant 8 : i32
    %dma_start3A_81 = arith.constant 1024 : i32
    %dma_start3A_82 = arith.constant 0 : i32
    %dma_start3A_83 = tpu.memref_slice %arg6[%dma_start3A_81, %dma_start3A_82] : memref<2048x16xf32, #tpu.memory_space<vmem>> -> memref<128x16xf32, #tpu.memory_space<vmem>>
    %dma_start3A_84 = arith.constant 0 : i32
    %dma_start3A_85 = tpu.memref_slice %arg5[%dma_start3A_80, %dma_start3A_84] : memref<16x128xi32, #tpu.memory_space<vmem>> -> memref<1x128xi32, #tpu.memory_space<vmem>>
    %dma_start3A_86 = tpu.memref_squeeze %dma_start3A_85 : memref<1x128xi32, #tpu.memory_space<vmem>> -> memref<128xi32, #tpu.memory_space<vmem>>
    %dma_start3A_87 = arith.constant 0 : i32
    %dma_start3A_88 = arith.constant 0 : i32
    %dma_start3A_89 = tpu.memref_slice %arg2[%dma_start3A_87, %dma_start3A_88] : memref<16384x16xf32, #tpu.memory_space<hbm>> -> memref<16384x16xf32, #tpu.memory_space<hbm>>
    tpu.enqueue_indirect_dma source(%dma_start3A_89 : memref<16384x16xf32, #tpu.memory_space<hbm>>) target(%dma_start3A_83 : memref<128x16xf32, #tpu.memory_space<vmem>>) offsets(%dma_start3A_86 : memref<128xi32, #tpu.memory_space<vmem>>) semaphore(%arg7 : memref<!tpu.dma_semaphore, #tpu.memory_space<semaphore_mem>>)
    %dma_start3A_90 = arith.constant 9 : i32
    %dma_start3A_91 = arith.constant 1152 : i32
    %dma_start3A_92 = arith.constant 0 : i32
    %dma_start3A_93 = tpu.memref_slice %arg6[%dma_start3A_91, %dma_start3A_92] : memref<2048x16xf32, #tpu.memory_space<vmem>> -> memref<128x16xf32, #tpu.memory_space<vmem>>
    %dma_start3A_94 = arith.constant 0 : i32
    %dma_start3A_95 = tpu.memref_slice %arg5[%dma_start3A_90, %dma_start3A_94] : memref<16x128xi32, #tpu.memory_space<vmem>> -> memref<1x128xi32, #tpu.memory_space<vmem>>
    %dma_start3A_96 = tpu.memref_squeeze %dma_start3A_95 : memref<1x128xi32, #tpu.memory_space<vmem>> -> memref<128xi32, #tpu.memory_space<vmem>>
    %dma_start3A_97 = arith.constant 0 : i32
    %dma_start3A_98 = arith.constant 0 : i32
    %dma_start3A_99 = tpu.memref_slice %arg2[%dma_start3A_97, %dma_start3A_98] : memref<16384x16xf32, #tpu.memory_space<hbm>> -> memref<16384x16xf32, #tpu.memory_space<hbm>>
    tpu.enqueue_indirect_dma source(%dma_start3A_99 : memref<16384x16xf32, #tpu.memory_space<hbm>>) target(%dma_start3A_93 : memref<128x16xf32, #tpu.memory_space<vmem>>) offsets(%dma_start3A_96 : memref<128xi32, #tpu.memory_space<vmem>>) semaphore(%arg7 : memref<!tpu.dma_semaphore, #tpu.memory_space<semaphore_mem>>)
    %dma_start3A_100 = arith.constant 10 : i32
    %dma_start3A_101 = arith.constant 1280 : i32
    %dma_start3A_102 = arith.constant 0 : i32
    %dma_start3A_103 = tpu.memref_slice %arg6[%dma_start3A_101, %dma_start3A_102] : memref<2048x16xf32, #tpu.memory_space<vmem>> -> memref<128x16xf32, #tpu.memory_space<vmem>>
    %dma_start3A_104 = arith.constant 0 : i32
    %dma_start3A_105 = tpu.memref_slice %arg5[%dma_start3A_100, %dma_start3A_104] : memref<16x128xi32, #tpu.memory_space<vmem>> -> memref<1x128xi32, #tpu.memory_space<vmem>>
    %dma_start3A_106 = tpu.memref_squeeze %dma_start3A_105 : memref<1x128xi32, #tpu.memory_space<vmem>> -> memref<128xi32, #tpu.memory_space<vmem>>
    %dma_start3A_107 = arith.constant 0 : i32
    %dma_start3A_108 = arith.constant 0 : i32
    %dma_start3A_109 = tpu.memref_slice %arg2[%dma_start3A_107, %dma_start3A_108] : memref<16384x16xf32, #tpu.memory_space<hbm>> -> memref<16384x16xf32, #tpu.memory_space<hbm>>
    tpu.enqueue_indirect_dma source(%dma_start3A_109 : memref<16384x16xf32, #tpu.memory_space<hbm>>) target(%dma_start3A_103 : memref<128x16xf32, #tpu.memory_space<vmem>>) offsets(%dma_start3A_106 : memref<128xi32, #tpu.memory_space<vmem>>) semaphore(%arg7 : memref<!tpu.dma_semaphore, #tpu.memory_space<semaphore_mem>>)
    %dma_start3A_110 = arith.constant 11 : i32
    %dma_start3A_111 = arith.constant 1408 : i32
    %dma_start3A_112 = arith.constant 0 : i32
    %dma_start3A_113 = tpu.memref_slice %arg6[%dma_start3A_111, %dma_start3A_112] : memref<2048x16xf32, #tpu.memory_space<vmem>> -> memref<128x16xf32, #tpu.memory_space<vmem>>
    %dma_start3A_114 = arith.constant 0 : i32
    %dma_start3A_115 = tpu.memref_slice %arg5[%dma_start3A_110, %dma_start3A_114] : memref<16x128xi32, #tpu.memory_space<vmem>> -> memref<1x128xi32, #tpu.memory_space<vmem>>
    %dma_start3A_116 = tpu.memref_squeeze %dma_start3A_115 : memref<1x128xi32, #tpu.memory_space<vmem>> -> memref<128xi32, #tpu.memory_space<vmem>>
    %dma_start3A_117 = arith.constant 0 : i32
    %dma_start3A_118 = arith.constant 0 : i32
    %dma_start3A_119 = tpu.memref_slice %arg2[%dma_start3A_117, %dma_start3A_118] : memref<16384x16xf32, #tpu.memory_space<hbm>> -> memref<16384x16xf32, #tpu.memory_space<hbm>>
    tpu.enqueue_indirect_dma source(%dma_start3A_119 : memref<16384x16xf32, #tpu.memory_space<hbm>>) target(%dma_start3A_113 : memref<128x16xf32, #tpu.memory_space<vmem>>) offsets(%dma_start3A_116 : memref<128xi32, #tpu.memory_space<vmem>>) semaphore(%arg7 : memref<!tpu.dma_semaphore, #tpu.memory_space<semaphore_mem>>)
    %dma_start3A_120 = arith.constant 12 : i32
    %dma_start3A_121 = arith.constant 1536 : i32
    %dma_start3A_122 = arith.constant 0 : i32
    %dma_start3A_123 = tpu.memref_slice %arg6[%dma_start3A_121, %dma_start3A_122] : memref<2048x16xf32, #tpu.memory_space<vmem>> -> memref<128x16xf32, #tpu.memory_space<vmem>>
    %dma_start3A_124 = arith.constant 0 : i32
    %dma_start3A_125 = tpu.memref_slice %arg5[%dma_start3A_120, %dma_start3A_124] : memref<16x128xi32, #tpu.memory_space<vmem>> -> memref<1x128xi32, #tpu.memory_space<vmem>>
    %dma_start3A_126 = tpu.memref_squeeze %dma_start3A_125 : memref<1x128xi32, #tpu.memory_space<vmem>> -> memref<128xi32, #tpu.memory_space<vmem>>
    %dma_start3A_127 = arith.constant 0 : i32
    %dma_start3A_128 = arith.constant 0 : i32
    %dma_start3A_129 = tpu.memref_slice %arg2[%dma_start3A_127, %dma_start3A_128] : memref<16384x16xf32, #tpu.memory_space<hbm>> -> memref<16384x16xf32, #tpu.memory_space<hbm>>
    tpu.enqueue_indirect_dma source(%dma_start3A_129 : memref<16384x16xf32, #tpu.memory_space<hbm>>) target(%dma_start3A_123 : memref<128x16xf32, #tpu.memory_space<vmem>>) offsets(%dma_start3A_126 : memref<128xi32, #tpu.memory_space<vmem>>) semaphore(%arg7 : memref<!tpu.dma_semaphore, #tpu.memory_space<semaphore_mem>>)
    %dma_start3A_130 = arith.constant 13 : i32
    %dma_start3A_131 = arith.constant 1664 : i32
    %dma_start3A_132 = arith.constant 0 : i32
    %dma_start3A_133 = tpu.memref_slice %arg6[%dma_start3A_131, %dma_start3A_132] : memref<2048x16xf32, #tpu.memory_space<vmem>> -> memref<128x16xf32, #tpu.memory_space<vmem>>
    %dma_start3A_134 = arith.constant 0 : i32
    %dma_start3A_135 = tpu.memref_slice %arg5[%dma_start3A_130, %dma_start3A_134] : memref<16x128xi32, #tpu.memory_space<vmem>> -> memref<1x128xi32, #tpu.memory_space<vmem>>
    %dma_start3A_136 = tpu.memref_squeeze %dma_start3A_135 : memref<1x128xi32, #tpu.memory_space<vmem>> -> memref<128xi32, #tpu.memory_space<vmem>>
    %dma_start3A_137 = arith.constant 0 : i32
    %dma_start3A_138 = arith.constant 0 : i32
    %dma_start3A_139 = tpu.memref_slice %arg2[%dma_start3A_137, %dma_start3A_138] : memref<16384x16xf32, #tpu.memory_space<hbm>> -> memref<16384x16xf32, #tpu.memory_space<hbm>>
    tpu.enqueue_indirect_dma source(%dma_start3A_139 : memref<16384x16xf32, #tpu.memory_space<hbm>>) target(%dma_start3A_133 : memref<128x16xf32, #tpu.memory_space<vmem>>) offsets(%dma_start3A_136 : memref<128xi32, #tpu.memory_space<vmem>>) semaphore(%arg7 : memref<!tpu.dma_semaphore, #tpu.memory_space<semaphore_mem>>)
    %dma_start3A_140 = arith.constant 14 : i32
    %dma_start3A_141 = arith.constant 1792 : i32
    %dma_start3A_142 = arith.constant 0 : i32
    %dma_start3A_143 = tpu.memref_slice %arg6[%dma_start3A_141, %dma_start3A_142] : memref<2048x16xf32, #tpu.memory_space<vmem>> -> memref<128x16xf32, #tpu.memory_space<vmem>>
    %dma_start3A_144 = arith.constant 0 : i32
    %dma_start3A_145 = tpu.memref_slice %arg5[%dma_start3A_140, %dma_start3A_144] : memref<16x128xi32, #tpu.memory_space<vmem>> -> memref<1x128xi32, #tpu.memory_space<vmem>>
    %dma_start3A_146 = tpu.memref_squeeze %dma_start3A_145 : memref<1x128xi32, #tpu.memory_space<vmem>> -> memref<128xi32, #tpu.memory_space<vmem>>
    %dma_start3A_147 = arith.constant 0 : i32
    %dma_start3A_148 = arith.constant 0 : i32
    %dma_start3A_149 = tpu.memref_slice %arg2[%dma_start3A_147, %dma_start3A_148] : memref<16384x16xf32, #tpu.memory_space<hbm>> -> memref<16384x16xf32, #tpu.memory_space<hbm>>
    tpu.enqueue_indirect_dma source(%dma_start3A_149 : memref<16384x16xf32, #tpu.memory_space<hbm>>) target(%dma_start3A_143 : memref<128x16xf32, #tpu.memory_space<vmem>>) offsets(%dma_start3A_146 : memref<128xi32, #tpu.memory_space<vmem>>) semaphore(%arg7 : memref<!tpu.dma_semaphore, #tpu.memory_space<semaphore_mem>>)
    %dma_start3A_150 = arith.constant 15 : i32
    %dma_start3A_151 = arith.constant 1920 : i32
    %dma_start3A_152 = arith.constant 0 : i32
    %dma_start3A_153 = tpu.memref_slice %arg6[%dma_start3A_151, %dma_start3A_152] : memref<2048x16xf32, #tpu.memory_space<vmem>> -> memref<128x16xf32, #tpu.memory_space<vmem>>
    %dma_start3A_154 = arith.constant 0 : i32
    %dma_start3A_155 = tpu.memref_slice %arg5[%dma_start3A_150, %dma_start3A_154] : memref<16x128xi32, #tpu.memory_space<vmem>> -> memref<1x128xi32, #tpu.memory_space<vmem>>
    %dma_start3A_156 = tpu.memref_squeeze %dma_start3A_155 : memref<1x128xi32, #tpu.memory_space<vmem>> -> memref<128xi32, #tpu.memory_space<vmem>>
    %dma_start3A_157 = arith.constant 0 : i32
    %dma_start3A_158 = arith.constant 0 : i32
    %dma_start3A_159 = tpu.memref_slice %arg2[%dma_start3A_157, %dma_start3A_158] : memref<16384x16xf32, #tpu.memory_space<hbm>> -> memref<16384x16xf32, #tpu.memory_space<hbm>>
    tpu.enqueue_indirect_dma source(%dma_start3A_159 : memref<16384x16xf32, #tpu.memory_space<hbm>>) target(%dma_start3A_153 : memref<128x16xf32, #tpu.memory_space<vmem>>) offsets(%dma_start3A_156 : memref<128xi32, #tpu.memory_space<vmem>>) semaphore(%arg7 : memref<!tpu.dma_semaphore, #tpu.memory_space<semaphore_mem>>)
    %dma_wait3A = arith.constant 0 : i32
    %dma_wait3A_160 = arith.constant 0 : i32
    %dma_wait3A_161 = arith.constant 0 : i32
    %dma_wait3A_162 = tpu.memref_slice %arg6[%dma_wait3A_160, %dma_wait3A_161] : memref<2048x16xf32, #tpu.memory_space<vmem>> -> memref<128x16xf32, #tpu.memory_space<vmem>>
    %dma_wait3A_163 = arith.constant 0 : i32
    %dma_wait3A_164 = tpu.memref_slice %arg5[%dma_wait3A, %dma_wait3A_163] : memref<16x128xi32, #tpu.memory_space<vmem>> -> memref<1x128xi32, #tpu.memory_space<vmem>>
    %dma_wait3A_165 = tpu.memref_squeeze %dma_wait3A_164 : memref<1x128xi32, #tpu.memory_space<vmem>> -> memref<128xi32, #tpu.memory_space<vmem>>
    %dma_wait3A_166 = arith.constant 0 : i32
    %dma_wait3A_167 = arith.constant 0 : i32
    %dma_wait3A_168 = tpu.memref_slice %arg2[%dma_wait3A_166, %dma_wait3A_167] : memref<16384x16xf32, #tpu.memory_space<hbm>> -> memref<16384x16xf32, #tpu.memory_space<hbm>>
    tpu.wait_indirect_dma semaphore(%arg7 : memref<!tpu.dma_semaphore, #tpu.memory_space<semaphore_mem>>) src(%dma_wait3A_168 : memref<16384x16xf32, #tpu.memory_space<hbm>>) dst(%dma_wait3A_162 : memref<128x16xf32, #tpu.memory_space<vmem>>)
    %dma_wait3A_169 = arith.constant 1 : i32
    %dma_wait3A_170 = arith.constant 128 : i32
    %dma_wait3A_171 = arith.constant 0 : i32
    %dma_wait3A_172 = tpu.memref_slice %arg6[%dma_wait3A_170, %dma_wait3A_171] : memref<2048x16xf32, #tpu.memory_space<vmem>> -> memref<128x16xf32, #tpu.memory_space<vmem>>
    %dma_wait3A_173 = arith.constant 0 : i32
    %dma_wait3A_174 = tpu.memref_slice %arg5[%dma_wait3A_169, %dma_wait3A_173] : memref<16x128xi32, #tpu.memory_space<vmem>> -> memref<1x128xi32, #tpu.memory_space<vmem>>
    %dma_wait3A_175 = tpu.memref_squeeze %dma_wait3A_174 : memref<1x128xi32, #tpu.memory_space<vmem>> -> memref<128xi32, #tpu.memory_space<vmem>>
    %dma_wait3A_176 = arith.constant 0 : i32
    %dma_wait3A_177 = arith.constant 0 : i32
    %dma_wait3A_178 = tpu.memref_slice %arg2[%dma_wait3A_176, %dma_wait3A_177] : memref<16384x16xf32, #tpu.memory_space<hbm>> -> memref<16384x16xf32, #tpu.memory_space<hbm>>
    tpu.wait_indirect_dma semaphore(%arg7 : memref<!tpu.dma_semaphore, #tpu.memory_space<semaphore_mem>>) src(%dma_wait3A_178 : memref<16384x16xf32, #tpu.memory_space<hbm>>) dst(%dma_wait3A_172 : memref<128x16xf32, #tpu.memory_space<vmem>>)
    %dma_wait3A_179 = arith.constant 2 : i32
    %dma_wait3A_180 = arith.constant 256 : i32
    %dma_wait3A_181 = arith.constant 0 : i32
    %dma_wait3A_182 = tpu.memref_slice %arg6[%dma_wait3A_180, %dma_wait3A_181] : memref<2048x16xf32, #tpu.memory_space<vmem>> -> memref<128x16xf32, #tpu.memory_space<vmem>>
    %dma_wait3A_183 = arith.constant 0 : i32
    %dma_wait3A_184 = tpu.memref_slice %arg5[%dma_wait3A_179, %dma_wait3A_183] : memref<16x128xi32, #tpu.memory_space<vmem>> -> memref<1x128xi32, #tpu.memory_space<vmem>>
    %dma_wait3A_185 = tpu.memref_squeeze %dma_wait3A_184 : memref<1x128xi32, #tpu.memory_space<vmem>> -> memref<128xi32, #tpu.memory_space<vmem>>
    %dma_wait3A_186 = arith.constant 0 : i32
    %dma_wait3A_187 = arith.constant 0 : i32
    %dma_wait3A_188 = tpu.memref_slice %arg2[%dma_wait3A_186, %dma_wait3A_187] : memref<16384x16xf32, #tpu.memory_space<hbm>> -> memref<16384x16xf32, #tpu.memory_space<hbm>>
    tpu.wait_indirect_dma semaphore(%arg7 : memref<!tpu.dma_semaphore, #tpu.memory_space<semaphore_mem>>) src(%dma_wait3A_188 : memref<16384x16xf32, #tpu.memory_space<hbm>>) dst(%dma_wait3A_182 : memref<128x16xf32, #tpu.memory_space<vmem>>)
    %dma_wait3A_189 = arith.constant 3 : i32
    %dma_wait3A_190 = arith.constant 384 : i32
    %dma_wait3A_191 = arith.constant 0 : i32
    %dma_wait3A_192 = tpu.memref_slice %arg6[%dma_wait3A_190, %dma_wait3A_191] : memref<2048x16xf32, #tpu.memory_space<vmem>> -> memref<128x16xf32, #tpu.memory_space<vmem>>
    %dma_wait3A_193 = arith.constant 0 : i32
    %dma_wait3A_194 = tpu.memref_slice %arg5[%dma_wait3A_189, %dma_wait3A_193] : memref<16x128xi32, #tpu.memory_space<vmem>> -> memref<1x128xi32, #tpu.memory_space<vmem>>
    %dma_wait3A_195 = tpu.memref_squeeze %dma_wait3A_194 : memref<1x128xi32, #tpu.memory_space<vmem>> -> memref<128xi32, #tpu.memory_space<vmem>>
    %dma_wait3A_196 = arith.constant 0 : i32
    %dma_wait3A_197 = arith.constant 0 : i32
    %dma_wait3A_198 = tpu.memref_slice %arg2[%dma_wait3A_196, %dma_wait3A_197] : memref<16384x16xf32, #tpu.memory_space<hbm>> -> memref<16384x16xf32, #tpu.memory_space<hbm>>
    tpu.wait_indirect_dma semaphore(%arg7 : memref<!tpu.dma_semaphore, #tpu.memory_space<semaphore_mem>>) src(%dma_wait3A_198 : memref<16384x16xf32, #tpu.memory_space<hbm>>) dst(%dma_wait3A_192 : memref<128x16xf32, #tpu.memory_space<vmem>>)
    %dma_wait3A_199 = arith.constant 4 : i32
    %dma_wait3A_200 = arith.constant 512 : i32
    %dma_wait3A_201 = arith.constant 0 : i32
    %dma_wait3A_202 = tpu.memref_slice %arg6[%dma_wait3A_200, %dma_wait3A_201] : memref<2048x16xf32, #tpu.memory_space<vmem>> -> memref<128x16xf32, #tpu.memory_space<vmem>>
    %dma_wait3A_203 = arith.constant 0 : i32
    %dma_wait3A_204 = tpu.memref_slice %arg5[%dma_wait3A_199, %dma_wait3A_203] : memref<16x128xi32, #tpu.memory_space<vmem>> -> memref<1x128xi32, #tpu.memory_space<vmem>>
    %dma_wait3A_205 = tpu.memref_squeeze %dma_wait3A_204 : memref<1x128xi32, #tpu.memory_space<vmem>> -> memref<128xi32, #tpu.memory_space<vmem>>
    %dma_wait3A_206 = arith.constant 0 : i32
    %dma_wait3A_207 = arith.constant 0 : i32
    %dma_wait3A_208 = tpu.memref_slice %arg2[%dma_wait3A_206, %dma_wait3A_207] : memref<16384x16xf32, #tpu.memory_space<hbm>> -> memref<16384x16xf32, #tpu.memory_space<hbm>>
    tpu.wait_indirect_dma semaphore(%arg7 : memref<!tpu.dma_semaphore, #tpu.memory_space<semaphore_mem>>) src(%dma_wait3A_208 : memref<16384x16xf32, #tpu.memory_space<hbm>>) dst(%dma_wait3A_202 : memref<128x16xf32, #tpu.memory_space<vmem>>)
    %dma_wait3A_209 = arith.constant 5 : i32
    %dma_wait3A_210 = arith.constant 640 : i32
    %dma_wait3A_211 = arith.constant 0 : i32
    %dma_wait3A_212 = tpu.memref_slice %arg6[%dma_wait3A_210, %dma_wait3A_211] : memref<2048x16xf32, #tpu.memory_space<vmem>> -> memref<128x16xf32, #tpu.memory_space<vmem>>
    %dma_wait3A_213 = arith.constant 0 : i32
    %dma_wait3A_214 = tpu.memref_slice %arg5[%dma_wait3A_209, %dma_wait3A_213] : memref<16x128xi32, #tpu.memory_space<vmem>> -> memref<1x128xi32, #tpu.memory_space<vmem>>
    %dma_wait3A_215 = tpu.memref_squeeze %dma_wait3A_214 : memref<1x128xi32, #tpu.memory_space<vmem>> -> memref<128xi32, #tpu.memory_space<vmem>>
    %dma_wait3A_216 = arith.constant 0 : i32
    %dma_wait3A_217 = arith.constant 0 : i32
    %dma_wait3A_218 = tpu.memref_slice %arg2[%dma_wait3A_216, %dma_wait3A_217] : memref<16384x16xf32, #tpu.memory_space<hbm>> -> memref<16384x16xf32, #tpu.memory_space<hbm>>
    tpu.wait_indirect_dma semaphore(%arg7 : memref<!tpu.dma_semaphore, #tpu.memory_space<semaphore_mem>>) src(%dma_wait3A_218 : memref<16384x16xf32, #tpu.memory_space<hbm>>) dst(%dma_wait3A_212 : memref<128x16xf32, #tpu.memory_space<vmem>>)
    %dma_wait3A_219 = arith.constant 6 : i32
    %dma_wait3A_220 = arith.constant 768 : i32
    %dma_wait3A_221 = arith.constant 0 : i32
    %dma_wait3A_222 = tpu.memref_slice %arg6[%dma_wait3A_220, %dma_wait3A_221] : memref<2048x16xf32, #tpu.memory_space<vmem>> -> memref<128x16xf32, #tpu.memory_space<vmem>>
    %dma_wait3A_223 = arith.constant 0 : i32
    %dma_wait3A_224 = tpu.memref_slice %arg5[%dma_wait3A_219, %dma_wait3A_223] : memref<16x128xi32, #tpu.memory_space<vmem>> -> memref<1x128xi32, #tpu.memory_space<vmem>>
    %dma_wait3A_225 = tpu.memref_squeeze %dma_wait3A_224 : memref<1x128xi32, #tpu.memory_space<vmem>> -> memref<128xi32, #tpu.memory_space<vmem>>
    %dma_wait3A_226 = arith.constant 0 : i32
    %dma_wait3A_227 = arith.constant 0 : i32
    %dma_wait3A_228 = tpu.memref_slice %arg2[%dma_wait3A_226, %dma_wait3A_227] : memref<16384x16xf32, #tpu.memory_space<hbm>> -> memref<16384x16xf32, #tpu.memory_space<hbm>>
    tpu.wait_indirect_dma semaphore(%arg7 : memref<!tpu.dma_semaphore, #tpu.memory_space<semaphore_mem>>) src(%dma_wait3A_228 : memref<16384x16xf32, #tpu.memory_space<hbm>>) dst(%dma_wait3A_222 : memref<128x16xf32, #tpu.memory_space<vmem>>)
    %dma_wait3A_229 = arith.constant 7 : i32
    %dma_wait3A_230 = arith.constant 896 : i32
    %dma_wait3A_231 = arith.constant 0 : i32
    %dma_wait3A_232 = tpu.memref_slice %arg6[%dma_wait3A_230, %dma_wait3A_231] : memref<2048x16xf32, #tpu.memory_space<vmem>> -> memref<128x16xf32, #tpu.memory_space<vmem>>
    %dma_wait3A_233 = arith.constant 0 : i32
    %dma_wait3A_234 = tpu.memref_slice %arg5[%dma_wait3A_229, %dma_wait3A_233] : memref<16x128xi32, #tpu.memory_space<vmem>> -> memref<1x128xi32, #tpu.memory_space<vmem>>
    %dma_wait3A_235 = tpu.memref_squeeze %dma_wait3A_234 : memref<1x128xi32, #tpu.memory_space<vmem>> -> memref<128xi32, #tpu.memory_space<vmem>>
    %dma_wait3A_236 = arith.constant 0 : i32
    %dma_wait3A_237 = arith.constant 0 : i32
    %dma_wait3A_238 = tpu.memref_slice %arg2[%dma_wait3A_236, %dma_wait3A_237] : memref<16384x16xf32, #tpu.memory_space<hbm>> -> memref<16384x16xf32, #tpu.memory_space<hbm>>
    tpu.wait_indirect_dma semaphore(%arg7 : memref<!tpu.dma_semaphore, #tpu.memory_space<semaphore_mem>>) src(%dma_wait3A_238 : memref<16384x16xf32, #tpu.memory_space<hbm>>) dst(%dma_wait3A_232 : memref<128x16xf32, #tpu.memory_space<vmem>>)
    %dma_wait3A_239 = arith.constant 8 : i32
    %dma_wait3A_240 = arith.constant 1024 : i32
    %dma_wait3A_241 = arith.constant 0 : i32
    %dma_wait3A_242 = tpu.memref_slice %arg6[%dma_wait3A_240, %dma_wait3A_241] : memref<2048x16xf32, #tpu.memory_space<vmem>> -> memref<128x16xf32, #tpu.memory_space<vmem>>
    %dma_wait3A_243 = arith.constant 0 : i32
    %dma_wait3A_244 = tpu.memref_slice %arg5[%dma_wait3A_239, %dma_wait3A_243] : memref<16x128xi32, #tpu.memory_space<vmem>> -> memref<1x128xi32, #tpu.memory_space<vmem>>
    %dma_wait3A_245 = tpu.memref_squeeze %dma_wait3A_244 : memref<1x128xi32, #tpu.memory_space<vmem>> -> memref<128xi32, #tpu.memory_space<vmem>>
    %dma_wait3A_246 = arith.constant 0 : i32
    %dma_wait3A_247 = arith.constant 0 : i32
    %dma_wait3A_248 = tpu.memref_slice %arg2[%dma_wait3A_246, %dma_wait3A_247] : memref<16384x16xf32, #tpu.memory_space<hbm>> -> memref<16384x16xf32, #tpu.memory_space<hbm>>
    tpu.wait_indirect_dma semaphore(%arg7 : memref<!tpu.dma_semaphore, #tpu.memory_space<semaphore_mem>>) src(%dma_wait3A_248 : memref<16384x16xf32, #tpu.memory_space<hbm>>) dst(%dma_wait3A_242 : memref<128x16xf32, #tpu.memory_space<vmem>>)
    %dma_wait3A_249 = arith.constant 9 : i32
    %dma_wait3A_250 = arith.constant 1152 : i32
    %dma_wait3A_251 = arith.constant 0 : i32
    %dma_wait3A_252 = tpu.memref_slice %arg6[%dma_wait3A_250, %dma_wait3A_251] : memref<2048x16xf32, #tpu.memory_space<vmem>> -> memref<128x16xf32, #tpu.memory_space<vmem>>
    %dma_wait3A_253 = arith.constant 0 : i32
    %dma_wait3A_254 = tpu.memref_slice %arg5[%dma_wait3A_249, %dma_wait3A_253] : memref<16x128xi32, #tpu.memory_space<vmem>> -> memref<1x128xi32, #tpu.memory_space<vmem>>
    %dma_wait3A_255 = tpu.memref_squeeze %dma_wait3A_254 : memref<1x128xi32, #tpu.memory_space<vmem>> -> memref<128xi32, #tpu.memory_space<vmem>>
    %dma_wait3A_256 = arith.constant 0 : i32
    %dma_wait3A_257 = arith.constant 0 : i32
    %dma_wait3A_258 = tpu.memref_slice %arg2[%dma_wait3A_256, %dma_wait3A_257] : memref<16384x16xf32, #tpu.memory_space<hbm>> -> memref<16384x16xf32, #tpu.memory_space<hbm>>
    tpu.wait_indirect_dma semaphore(%arg7 : memref<!tpu.dma_semaphore, #tpu.memory_space<semaphore_mem>>) src(%dma_wait3A_258 : memref<16384x16xf32, #tpu.memory_space<hbm>>) dst(%dma_wait3A_252 : memref<128x16xf32, #tpu.memory_space<vmem>>)
    %dma_wait3A_259 = arith.constant 10 : i32
    %dma_wait3A_260 = arith.constant 1280 : i32
    %dma_wait3A_261 = arith.constant 0 : i32
    %dma_wait3A_262 = tpu.memref_slice %arg6[%dma_wait3A_260, %dma_wait3A_261] : memref<2048x16xf32, #tpu.memory_space<vmem>> -> memref<128x16xf32, #tpu.memory_space<vmem>>
    %dma_wait3A_263 = arith.constant 0 : i32
    %dma_wait3A_264 = tpu.memref_slice %arg5[%dma_wait3A_259, %dma_wait3A_263] : memref<16x128xi32, #tpu.memory_space<vmem>> -> memref<1x128xi32, #tpu.memory_space<vmem>>
    %dma_wait3A_265 = tpu.memref_squeeze %dma_wait3A_264 : memref<1x128xi32, #tpu.memory_space<vmem>> -> memref<128xi32, #tpu.memory_space<vmem>>
    %dma_wait3A_266 = arith.constant 0 : i32
    %dma_wait3A_267 = arith.constant 0 : i32
    %dma_wait3A_268 = tpu.memref_slice %arg2[%dma_wait3A_266, %dma_wait3A_267] : memref<16384x16xf32, #tpu.memory_space<hbm>> -> memref<16384x16xf32, #tpu.memory_space<hbm>>
    tpu.wait_indirect_dma semaphore(%arg7 : memref<!tpu.dma_semaphore, #tpu.memory_space<semaphore_mem>>) src(%dma_wait3A_268 : memref<16384x16xf32, #tpu.memory_space<hbm>>) dst(%dma_wait3A_262 : memref<128x16xf32, #tpu.memory_space<vmem>>)
    %dma_wait3A_269 = arith.constant 11 : i32
    %dma_wait3A_270 = arith.constant 1408 : i32
    %dma_wait3A_271 = arith.constant 0 : i32
    %dma_wait3A_272 = tpu.memref_slice %arg6[%dma_wait3A_270, %dma_wait3A_271] : memref<2048x16xf32, #tpu.memory_space<vmem>> -> memref<128x16xf32, #tpu.memory_space<vmem>>
    %dma_wait3A_273 = arith.constant 0 : i32
    %dma_wait3A_274 = tpu.memref_slice %arg5[%dma_wait3A_269, %dma_wait3A_273] : memref<16x128xi32, #tpu.memory_space<vmem>> -> memref<1x128xi32, #tpu.memory_space<vmem>>
    %dma_wait3A_275 = tpu.memref_squeeze %dma_wait3A_274 : memref<1x128xi32, #tpu.memory_space<vmem>> -> memref<128xi32, #tpu.memory_space<vmem>>
    %dma_wait3A_276 = arith.constant 0 : i32
    %dma_wait3A_277 = arith.constant 0 : i32
    %dma_wait3A_278 = tpu.memref_slice %arg2[%dma_wait3A_276, %dma_wait3A_277] : memref<16384x16xf32, #tpu.memory_space<hbm>> -> memref<16384x16xf32, #tpu.memory_space<hbm>>
    tpu.wait_indirect_dma semaphore(%arg7 : memref<!tpu.dma_semaphore, #tpu.memory_space<semaphore_mem>>) src(%dma_wait3A_278 : memref<16384x16xf32, #tpu.memory_space<hbm>>) dst(%dma_wait3A_272 : memref<128x16xf32, #tpu.memory_space<vmem>>)
    %dma_wait3A_279 = arith.constant 12 : i32
    %dma_wait3A_280 = arith.constant 1536 : i32
    %dma_wait3A_281 = arith.constant 0 : i32
    %dma_wait3A_282 = tpu.memref_slice %arg6[%dma_wait3A_280, %dma_wait3A_281] : memref<2048x16xf32, #tpu.memory_space<vmem>> -> memref<128x16xf32, #tpu.memory_space<vmem>>
    %dma_wait3A_283 = arith.constant 0 : i32
    %dma_wait3A_284 = tpu.memref_slice %arg5[%dma_wait3A_279, %dma_wait3A_283] : memref<16x128xi32, #tpu.memory_space<vmem>> -> memref<1x128xi32, #tpu.memory_space<vmem>>
    %dma_wait3A_285 = tpu.memref_squeeze %dma_wait3A_284 : memref<1x128xi32, #tpu.memory_space<vmem>> -> memref<128xi32, #tpu.memory_space<vmem>>
    %dma_wait3A_286 = arith.constant 0 : i32
    %dma_wait3A_287 = arith.constant 0 : i32
    %dma_wait3A_288 = tpu.memref_slice %arg2[%dma_wait3A_286, %dma_wait3A_287] : memref<16384x16xf32, #tpu.memory_space<hbm>> -> memref<16384x16xf32, #tpu.memory_space<hbm>>
    tpu.wait_indirect_dma semaphore(%arg7 : memref<!tpu.dma_semaphore, #tpu.memory_space<semaphore_mem>>) src(%dma_wait3A_288 : memref<16384x16xf32, #tpu.memory_space<hbm>>) dst(%dma_wait3A_282 : memref<128x16xf32, #tpu.memory_space<vmem>>)
    %dma_wait3A_289 = arith.constant 13 : i32
    %dma_wait3A_290 = arith.constant 1664 : i32
    %dma_wait3A_291 = arith.constant 0 : i32
    %dma_wait3A_292 = tpu.memref_slice %arg6[%dma_wait3A_290, %dma_wait3A_291] : memref<2048x16xf32, #tpu.memory_space<vmem>> -> memref<128x16xf32, #tpu.memory_space<vmem>>
    %dma_wait3A_293 = arith.constant 0 : i32
    %dma_wait3A_294 = tpu.memref_slice %arg5[%dma_wait3A_289, %dma_wait3A_293] : memref<16x128xi32, #tpu.memory_space<vmem>> -> memref<1x128xi32, #tpu.memory_space<vmem>>
    %dma_wait3A_295 = tpu.memref_squeeze %dma_wait3A_294 : memref<1x128xi32, #tpu.memory_space<vmem>> -> memref<128xi32, #tpu.memory_space<vmem>>
    %dma_wait3A_296 = arith.constant 0 : i32
    %dma_wait3A_297 = arith.constant 0 : i32
    %dma_wait3A_298 = tpu.memref_slice %arg2[%dma_wait3A_296, %dma_wait3A_297] : memref<16384x16xf32, #tpu.memory_space<hbm>> -> memref<16384x16xf32, #tpu.memory_space<hbm>>
    tpu.wait_indirect_dma semaphore(%arg7 : memref<!tpu.dma_semaphore, #tpu.memory_space<semaphore_mem>>) src(%dma_wait3A_298 : memref<16384x16xf32, #tpu.memory_space<hbm>>) dst(%dma_wait3A_292 : memref<128x16xf32, #tpu.memory_space<vmem>>)
    %dma_wait3A_299 = arith.constant 14 : i32
    %dma_wait3A_300 = arith.constant 1792 : i32
    %dma_wait3A_301 = arith.constant 0 : i32
    %dma_wait3A_302 = tpu.memref_slice %arg6[%dma_wait3A_300, %dma_wait3A_301] : memref<2048x16xf32, #tpu.memory_space<vmem>> -> memref<128x16xf32, #tpu.memory_space<vmem>>
    %dma_wait3A_303 = arith.constant 0 : i32
    %dma_wait3A_304 = tpu.memref_slice %arg5[%dma_wait3A_299, %dma_wait3A_303] : memref<16x128xi32, #tpu.memory_space<vmem>> -> memref<1x128xi32, #tpu.memory_space<vmem>>
    %dma_wait3A_305 = tpu.memref_squeeze %dma_wait3A_304 : memref<1x128xi32, #tpu.memory_space<vmem>> -> memref<128xi32, #tpu.memory_space<vmem>>
    %dma_wait3A_306 = arith.constant 0 : i32
    %dma_wait3A_307 = arith.constant 0 : i32
    %dma_wait3A_308 = tpu.memref_slice %arg2[%dma_wait3A_306, %dma_wait3A_307] : memref<16384x16xf32, #tpu.memory_space<hbm>> -> memref<16384x16xf32, #tpu.memory_space<hbm>>
    tpu.wait_indirect_dma semaphore(%arg7 : memref<!tpu.dma_semaphore, #tpu.memory_space<semaphore_mem>>) src(%dma_wait3A_308 : memref<16384x16xf32, #tpu.memory_space<hbm>>) dst(%dma_wait3A_302 : memref<128x16xf32, #tpu.memory_space<vmem>>)
    %dma_wait3A_309 = arith.constant 15 : i32
    %dma_wait3A_310 = arith.constant 1920 : i32
    %dma_wait3A_311 = arith.constant 0 : i32
    %dma_wait3A_312 = tpu.memref_slice %arg6[%dma_wait3A_310, %dma_wait3A_311] : memref<2048x16xf32, #tpu.memory_space<vmem>> -> memref<128x16xf32, #tpu.memory_space<vmem>>
    %dma_wait3A_313 = arith.constant 0 : i32
    %dma_wait3A_314 = tpu.memref_slice %arg5[%dma_wait3A_309, %dma_wait3A_313] : memref<16x128xi32, #tpu.memory_space<vmem>> -> memref<1x128xi32, #tpu.memory_space<vmem>>
    %dma_wait3A_315 = tpu.memref_squeeze %dma_wait3A_314 : memref<1x128xi32, #tpu.memory_space<vmem>> -> memref<128xi32, #tpu.memory_space<vmem>>
    %dma_wait3A_316 = arith.constant 0 : i32
    %dma_wait3A_317 = arith.constant 0 : i32
    %dma_wait3A_318 = tpu.memref_slice %arg2[%dma_wait3A_316, %dma_wait3A_317] : memref<16384x16xf32, #tpu.memory_space<hbm>> -> memref<16384x16xf32, #tpu.memory_space<hbm>>
    tpu.wait_indirect_dma semaphore(%arg7 : memref<!tpu.dma_semaphore, #tpu.memory_space<semaphore_mem>>) src(%dma_wait3A_318 : memref<16384x16xf32, #tpu.memory_space<hbm>>) dst(%dma_wait3A_312 : memref<128x16xf32, #tpu.memory_space<vmem>>)
    "tpu.region"() ({
      %run_scoped3A = tpu.sem_alloc : memref<!tpu.dma_semaphore, #tpu.memory_space<semaphore_mem>>
      %dma_start3A_319 = arith.constant 0 : i32
      %dma_start3A_320 = arith.constant 0 : i32
      %dma_start3A_321 = tpu.memref_slice %arg4[%add3A, %dma_start3A_319, %dma_start3A_320] : memref<32x2048x16xf32, #tpu.memory_space<hbm>> -> memref<1x2048x16xf32, #tpu.memory_space<hbm>>
      %dma_start3A_322 = tpu.memref_squeeze %dma_start3A_321 : memref<1x2048x16xf32, #tpu.memory_space<hbm>> -> memref<2048x16xf32, #tpu.memory_space<hbm>>
      %dma_start3A_323 = arith.constant 0 : i32
      %dma_start3A_324 = arith.constant 0 : i32
      %dma_start3A_325 = tpu.memref_slice %arg4[%add3A, %dma_start3A_323, %dma_start3A_324] : memref<32x2048x16xf32, #tpu.memory_space<hbm>> -> memref<1x2048x16xf32, #tpu.memory_space<hbm>>
      %dma_start3A_326 = tpu.memref_squeeze %dma_start3A_325 : memref<1x2048x16xf32, #tpu.memory_space<hbm>> -> memref<2048x16xf32, #tpu.memory_space<hbm>>
      tpu.enqueue_dma source(%arg6 : memref<2048x16xf32, #tpu.memory_space<vmem>>) target(%dma_start3A_326 : memref<2048x16xf32, #tpu.memory_space<hbm>>) target_semaphore(%run_scoped3A : memref<!tpu.dma_semaphore, #tpu.memory_space<semaphore_mem>>)
      %dma_wait3A_327 = arith.constant 0 : i32
      %dma_wait3A_328 = arith.constant 0 : i32
      %dma_wait3A_329 = tpu.memref_slice %arg4[%add3A, %dma_wait3A_327, %dma_wait3A_328] : memref<32x2048x16xf32, #tpu.memory_space<hbm>> -> memref<1x2048x16xf32, #tpu.memory_space<hbm>>
      %dma_wait3A_330 = tpu.memref_squeeze %dma_wait3A_329 : memref<1x2048x16xf32, #tpu.memory_space<hbm>> -> memref<2048x16xf32, #tpu.memory_space<hbm>>
      %dma_wait3A_331 = arith.constant 0 : i32
      %dma_wait3A_332 = arith.constant 0 : i32
      %dma_wait3A_333 = tpu.memref_slice %arg4[%add3A, %dma_wait3A_331, %dma_wait3A_332] : memref<32x2048x16xf32, #tpu.memory_space<hbm>> -> memref<1x2048x16xf32, #tpu.memory_space<hbm>>
      %dma_wait3A_334 = tpu.memref_squeeze %dma_wait3A_333 : memref<1x2048x16xf32, #tpu.memory_space<hbm>> -> memref<2048x16xf32, #tpu.memory_space<hbm>>
      tpu.wait_dma2 semaphore(%run_scoped3A : memref<!tpu.dma_semaphore, #tpu.memory_space<semaphore_mem>>) src(%arg6 : memref<2048x16xf32, #tpu.memory_space<vmem>>) dst(%dma_wait3A_334 : memref<2048x16xf32, #tpu.memory_space<hbm>>)
      tpu.yield
    }) : () -> ()
    return
  }
}

module attributes {stable_mosaic.version = 14 : i64} {
  func.func @_fps_body(%arg0: memref<2x3x64x128xf32, #tpu.memory_space<vmem>>, %arg1: memref<2x8192x3xf32, #tpu.memory_space<vmem>>, %arg2: memref<2x2048x1xi32, #tpu.memory_space<vmem>>, %arg3: memref<2x2048x3xf32, #tpu.memory_space<vmem>>) attributes {dimension_semantics = [], scalar_prefetch = 0 : i64, scratch_operands = 0 : i64, tpu.core_type = #tpu.core_type<tc>} {
    %iota3A = tpu.iota {dimensions = array<i32: 0>} : vector<64x128xi32>
    %mul3A = arith.constant 128 : i32
    %mul3A_0 = vector.broadcast %mul3A : i32 to vector<64x128xi32>
    %mul3A_1 = arith.muli %iota3A, %mul3A_0 : vector<64x128xi32>
    %iota3A_2 = tpu.iota {dimensions = array<i32: 1>} : vector<64x128xi32>
    %add3A = arith.addi %mul3A_1, %iota3A_2 : vector<64x128xi32>
    %get3A = arith.constant 0 : index
    %get3A_3 = arith.constant 0 : index
    %get3A_4 = arith.constant 0 : index
    %get3A_5 = arith.constant 0 : index
    %get3A_6 = vector.load %arg0[%get3A, %get3A_3, %get3A_4, %get3A_5] : memref<2x3x64x128xf32, #tpu.memory_space<vmem>>, vector<1x1x64x128xf32>
    %get3A_7 = vector.shape_cast %get3A_6 : vector<1x1x64x128xf32> to vector<64x128xf32>
    %get3A_8 = arith.constant 0 : index
    %get3A_9 = arith.constant 1 : index
    %get3A_10 = arith.constant 0 : index
    %get3A_11 = arith.constant 0 : index
    %get3A_12 = vector.load %arg0[%get3A_8, %get3A_9, %get3A_10, %get3A_11] : memref<2x3x64x128xf32, #tpu.memory_space<vmem>>, vector<1x1x64x128xf32>
    %get3A_13 = vector.shape_cast %get3A_12 : vector<1x1x64x128xf32> to vector<64x128xf32>
    %get3A_14 = arith.constant 0 : index
    %get3A_15 = arith.constant 2 : index
    %get3A_16 = arith.constant 0 : index
    %get3A_17 = arith.constant 0 : index
    %get3A_18 = vector.load %arg0[%get3A_14, %get3A_15, %get3A_16, %get3A_17] : memref<2x3x64x128xf32, #tpu.memory_space<vmem>>, vector<1x1x64x128xf32>
    %get3A_19 = vector.shape_cast %get3A_18 : vector<1x1x64x128xf32> to vector<64x128xf32>
    %get3A_20 = arith.constant 1 : index
    %get3A_21 = arith.constant 0 : index
    %get3A_22 = arith.constant 0 : index
    %get3A_23 = arith.constant 0 : index
    %get3A_24 = vector.load %arg0[%get3A_20, %get3A_21, %get3A_22, %get3A_23] : memref<2x3x64x128xf32, #tpu.memory_space<vmem>>, vector<1x1x64x128xf32>
    %get3A_25 = vector.shape_cast %get3A_24 : vector<1x1x64x128xf32> to vector<64x128xf32>
    %get3A_26 = arith.constant 1 : index
    %get3A_27 = arith.constant 1 : index
    %get3A_28 = arith.constant 0 : index
    %get3A_29 = arith.constant 0 : index
    %get3A_30 = vector.load %arg0[%get3A_26, %get3A_27, %get3A_28, %get3A_29] : memref<2x3x64x128xf32, #tpu.memory_space<vmem>>, vector<1x1x64x128xf32>
    %get3A_31 = vector.shape_cast %get3A_30 : vector<1x1x64x128xf32> to vector<64x128xf32>
    %get3A_32 = arith.constant 1 : index
    %get3A_33 = arith.constant 2 : index
    %get3A_34 = arith.constant 0 : index
    %get3A_35 = arith.constant 0 : index
    %get3A_36 = vector.load %arg0[%get3A_32, %get3A_33, %get3A_34, %get3A_35] : memref<2x3x64x128xf32, #tpu.memory_space<vmem>>, vector<1x1x64x128xf32>
    %get3A_37 = vector.shape_cast %get3A_36 : vector<1x1x64x128xf32> to vector<64x128xf32>
    %broadcast_in_dim3A = arith.constant 0 : i32
    %broadcast_in_dim3A_38 = vector.broadcast %broadcast_in_dim3A : i32 to vector<2x1xi32>
    %swap3A = arith.constant 0 : index
    %swap3A_39 = arith.constant 0 : index
    %swap3A_40 = arith.constant 0 : index
    %swap3A_41 = vector.load %arg2[%swap3A, %swap3A_39, %swap3A_40] : memref<2x2048x1xi32, #tpu.memory_space<vmem>>, vector<2x1x1xi32>
    %swap3A_42 = vector.shape_cast %swap3A_41 : vector<2x1x1xi32> to vector<2x1xi32>
    %swap3A_43 = vector.shape_cast %broadcast_in_dim3A_38 : vector<2x1xi32> to vector<2x1x1xi32>
    tpu.vector_store %arg2[%swap3A, %swap3A_39, %swap3A_40], %swap3A_43 {strides = array<i32>} : memref<2x2048x1xi32, #tpu.memory_space<vmem>>, vector<2x1x1xi32>,
    %get3A_44 = arith.constant 0 : index
    %get3A_45 = arith.constant 0 : index
    %get3A_46 = arith.constant 0 : index
    %get3A_47 = vector.load %arg1[%get3A_44, %get3A_45, %get3A_46] : memref<2x8192x3xf32, #tpu.memory_space<vmem>>, vector<2x1x3xf32>
    %get3A_48 = vector.shape_cast %get3A_47 : vector<2x1x3xf32> to vector<2x3xf32>
    %swap3A_49 = arith.constant 0 : index
    %swap3A_50 = arith.constant 0 : index
    %swap3A_51 = arith.constant 0 : index
    %swap3A_52 = vector.load %arg3[%swap3A_49, %swap3A_50, %swap3A_51] : memref<2x2048x3xf32, #tpu.memory_space<vmem>>, vector<2x1x3xf32>
    %swap3A_53 = vector.shape_cast %swap3A_52 : vector<2x1x3xf32> to vector<2x3xf32>
    %swap3A_54 = vector.shape_cast %get3A_48 : vector<2x3xf32> to vector<2x1x3xf32>
    tpu.vector_store %arg3[%swap3A_49, %swap3A_50, %swap3A_51], %swap3A_54 {strides = array<i32>} : memref<2x2048x3xf32, #tpu.memory_space<vmem>>, vector<2x1x3xf32>,
    %get3A_55 = arith.constant 0 : index
    %get3A_56 = arith.constant 0 : index
    %get3A_57 = arith.constant 0 : index
    %get3A_58 = vector.load %arg1[%get3A_55, %get3A_56, %get3A_57] : memref<2x8192x3xf32, #tpu.memory_space<vmem>>, vector<1x1x3xf32>
    %get3A_59 = vector.shape_cast %get3A_58 : vector<1x1x3xf32> to vector<1x3xf32>
    %get3A_60 = arith.constant 1 : index
    %get3A_61 = arith.constant 0 : index
    %get3A_62 = arith.constant 0 : index
    %get3A_63 = vector.load %arg1[%get3A_60, %get3A_61, %get3A_62] : memref<2x8192x3xf32, #tpu.memory_space<vmem>>, vector<1x1x3xf32>
    %get3A_64 = vector.shape_cast %get3A_63 : vector<1x1x3xf32> to vector<1x3xf32>
    %broadcast_in_dim3A_65 = arith.constant 1.000000e+10 : f32
    %broadcast_in_dim3A_66 = vector.broadcast %broadcast_in_dim3A_65 : f32 to vector<64x128xf32>
    %scan3A = arith.constant 1 : i32
    %scan3A_67 = arith.constant 2047 : i32
    %scan3A_68 = arith.addi %scan3A, %scan3A_67 : i32
    %scan3A_69 = arith.constant 1 : i32
    %scan3A_70:4 = scf.for %scan3A_72 = %scan3A to %scan3A_68 step %scan3A_69 iter_args(%scan3A_73 = %broadcast_in_dim3A_66, %scan3A_74 = %get3A_59, %scan3A_75 = %broadcast_in_dim3A_66, %scan3A_76 = %get3A_64) -> (vector<64x128xf32>, vector<1x3xf32>, vector<64x128xf32>, vector<1x3xf32>)  : i32 {
      %slice3A = vector.extract_strided_slice %scan3A_74 {offsets = [0, 0], sizes = [1, 1], strides = [1, 1]} : vector<1x3xf32> to vector<1x1xf32>
      %sub3A = vector.broadcast %slice3A : vector<1x1xf32> to vector<64x128xf32>
      %sub3A_77 = arith.subf %get3A_7, %sub3A : vector<64x128xf32>
      %slice3A_78 = vector.extract_strided_slice %scan3A_74 {offsets = [0, 1], sizes = [1, 1], strides = [1, 1]} : vector<1x3xf32> to vector<1x1xf32>
      %sub3A_79 = vector.broadcast %slice3A_78 : vector<1x1xf32> to vector<64x128xf32>
      %sub3A_80 = arith.subf %get3A_13, %sub3A_79 : vector<64x128xf32>
      %slice3A_81 = vector.extract_strided_slice %scan3A_74 {offsets = [0, 2], sizes = [1, 1], strides = [1, 1]} : vector<1x3xf32> to vector<1x1xf32>
      %sub3A_82 = vector.broadcast %slice3A_81 : vector<1x1xf32> to vector<64x128xf32>
      %sub3A_83 = arith.subf %get3A_19, %sub3A_82 : vector<64x128xf32>
      %mul3A_84 = arith.mulf %sub3A_77, %sub3A_77 : vector<64x128xf32>
      %mul3A_85 = arith.mulf %sub3A_80, %sub3A_80 : vector<64x128xf32>
      %add3A_86 = arith.addf %mul3A_84, %mul3A_85 : vector<64x128xf32>
      %mul3A_87 = arith.mulf %sub3A_83, %sub3A_83 : vector<64x128xf32>
      %add3A_88 = arith.addf %add3A_86, %mul3A_87 : vector<64x128xf32>
      %min3A = arith.minimumf %scan3A_73, %add3A_88 : vector<64x128xf32>
      %reduce_max3A = vector.shape_cast %min3A : vector<64x128xf32> to vector<1x64x128xf32>
      %reduce_max3A_89 = arith.constant dense<0xFF800000> : vector<1xf32>
      %reduce_max3A_90 = vector.multi_reduction <maximumf>, %reduce_max3A, %reduce_max3A_89 [1, 2] : vector<1x64x128xf32> to vector<1xf32>
      %reduce_max3A_91 = vector.shape_cast %reduce_max3A_90 : vector<1xf32> to vector<1x1x1xf32>
      %reduce_max3A_92 = vector.extract %reduce_max3A_91[0, 0, 0] : f32 from vector<1x1x1xf32>
      %eq3A = vector.broadcast %reduce_max3A_92 : f32 to vector<64x128xf32>
      %eq3A_93 = arith.cmpf oeq, %min3A, %eq3A : vector<64x128xf32>
      %jit3A = arith.constant 1073741824 : i32
      %broadcast_in_dim3A_94 = vector.broadcast %jit3A : i32 to vector<64x128xi32>
      %select_n3A = arith.select %eq3A_93, %add3A, %broadcast_in_dim3A_94 : vector<64x128xi1>, vector<64x128xi32>
      %reduce_min3A = vector.shape_cast %select_n3A : vector<64x128xi32> to vector<1x64x128xi32>
      %reduce_min3A_95 = arith.constant dense<2147483647> : vector<1xi32>
      %reduce_min3A_96 = vector.multi_reduction <minsi>, %reduce_min3A, %reduce_min3A_95 [1, 2] : vector<1x64x128xi32> to vector<1xi32>
      %reduce_min3A_97 = vector.shape_cast %reduce_min3A_96 : vector<1xi32> to vector<1x1x1xi32>
      %reduce_min3A_98 = vector.extract %reduce_min3A_97[0, 0, 0] : i32 from vector<1x1x1xi32>
      %reshape3A = vector.broadcast %reduce_min3A_98 : i32 to vector<1x1xi32>
      %swap3A_99 = arith.constant 0 : index
      %swap3A_100 = arith.index_cast %scan3A_72 : i32 to index
      %swap3A_101 = arith.constant 0 : index
      %swap3A_102 = vector.load %arg2[%swap3A_99, %swap3A_100, %swap3A_101] : memref<2x2048x1xi32, #tpu.memory_space<vmem>>, vector<1x1x1xi32>
      %swap3A_103 = vector.shape_cast %swap3A_102 : vector<1x1x1xi32> to vector<1x1xi32>
      %swap3A_104 = vector.shape_cast %reshape3A : vector<1x1xi32> to vector<1x1x1xi32>
      tpu.vector_store %arg2[%swap3A_99, %swap3A_100, %swap3A_101], %swap3A_104 {strides = array<i32>} : memref<2x2048x1xi32, #tpu.memory_space<vmem>>, vector<1x1x1xi32>,
      %get3A_105 = arith.constant 0 : index
      %get3A_106 = arith.index_cast %reduce_min3A_98 : i32 to index
      %get3A_107 = arith.constant 0 : index
      %get3A_108 = vector.load %arg1[%get3A_105, %get3A_106, %get3A_107] : memref<2x8192x3xf32, #tpu.memory_space<vmem>>, vector<1x1x3xf32>
      %get3A_109 = vector.shape_cast %get3A_108 : vector<1x1x3xf32> to vector<1x3xf32>
      %swap3A_110 = arith.constant 0 : index
      %swap3A_111 = arith.index_cast %scan3A_72 : i32 to index
      %swap3A_112 = arith.constant 0 : index
      %swap3A_113 = vector.load %arg3[%swap3A_110, %swap3A_111, %swap3A_112] : memref<2x2048x3xf32, #tpu.memory_space<vmem>>, vector<1x1x3xf32>
      %swap3A_114 = vector.shape_cast %swap3A_113 : vector<1x1x3xf32> to vector<1x3xf32>
      %swap3A_115 = vector.shape_cast %get3A_109 : vector<1x3xf32> to vector<1x1x3xf32>
      tpu.vector_store %arg3[%swap3A_110, %swap3A_111, %swap3A_112], %swap3A_115 {strides = array<i32>} : memref<2x2048x3xf32, #tpu.memory_space<vmem>>, vector<1x1x3xf32>,
      %slice3A_116 = vector.extract_strided_slice %scan3A_76 {offsets = [0, 0], sizes = [1, 1], strides = [1, 1]} : vector<1x3xf32> to vector<1x1xf32>
      %sub3A_117 = vector.broadcast %slice3A_116 : vector<1x1xf32> to vector<64x128xf32>
      %sub3A_118 = arith.subf %get3A_25, %sub3A_117 : vector<64x128xf32>
      %slice3A_119 = vector.extract_strided_slice %scan3A_76 {offsets = [0, 1], sizes = [1, 1], strides = [1, 1]} : vector<1x3xf32> to vector<1x1xf32>
      %sub3A_120 = vector.broadcast %slice3A_119 : vector<1x1xf32> to vector<64x128xf32>
      %sub3A_121 = arith.subf %get3A_31, %sub3A_120 : vector<64x128xf32>
      %slice3A_122 = vector.extract_strided_slice %scan3A_76 {offsets = [0, 2], sizes = [1, 1], strides = [1, 1]} : vector<1x3xf32> to vector<1x1xf32>
      %sub3A_123 = vector.broadcast %slice3A_122 : vector<1x1xf32> to vector<64x128xf32>
      %sub3A_124 = arith.subf %get3A_37, %sub3A_123 : vector<64x128xf32>
      %mul3A_125 = arith.mulf %sub3A_118, %sub3A_118 : vector<64x128xf32>
      %mul3A_126 = arith.mulf %sub3A_121, %sub3A_121 : vector<64x128xf32>
      %add3A_127 = arith.addf %mul3A_125, %mul3A_126 : vector<64x128xf32>
      %mul3A_128 = arith.mulf %sub3A_124, %sub3A_124 : vector<64x128xf32>
      %add3A_129 = arith.addf %add3A_127, %mul3A_128 : vector<64x128xf32>
      %min3A_130 = arith.minimumf %scan3A_75, %add3A_129 : vector<64x128xf32>
      %reduce_max3A_131 = vector.shape_cast %min3A_130 : vector<64x128xf32> to vector<1x64x128xf32>
      %reduce_max3A_132 = arith.constant dense<0xFF800000> : vector<1xf32>
      %reduce_max3A_133 = vector.multi_reduction <maximumf>, %reduce_max3A_131, %reduce_max3A_132 [1, 2] : vector<1x64x128xf32> to vector<1xf32>
      %reduce_max3A_134 = vector.shape_cast %reduce_max3A_133 : vector<1xf32> to vector<1x1x1xf32>
      %reduce_max3A_135 = vector.extract %reduce_max3A_134[0, 0, 0] : f32 from vector<1x1x1xf32>
      %eq3A_136 = vector.broadcast %reduce_max3A_135 : f32 to vector<64x128xf32>
      %eq3A_137 = arith.cmpf oeq, %min3A_130, %eq3A_136 : vector<64x128xf32>
      %jit3A_138 = arith.constant 1073741824 : i32
      %broadcast_in_dim3A_139 = vector.broadcast %jit3A_138 : i32 to vector<64x128xi32>
      %select_n3A_140 = arith.select %eq3A_137, %add3A, %broadcast_in_dim3A_139 : vector<64x128xi1>, vector<64x128xi32>
      %reduce_min3A_141 = vector.shape_cast %select_n3A_140 : vector<64x128xi32> to vector<1x64x128xi32>
      %reduce_min3A_142 = arith.constant dense<2147483647> : vector<1xi32>
      %reduce_min3A_143 = vector.multi_reduction <minsi>, %reduce_min3A_141, %reduce_min3A_142 [1, 2] : vector<1x64x128xi32> to vector<1xi32>
      %reduce_min3A_144 = vector.shape_cast %reduce_min3A_143 : vector<1xi32> to vector<1x1x1xi32>
      %reduce_min3A_145 = vector.extract %reduce_min3A_144[0, 0, 0] : i32 from vector<1x1x1xi32>
      %reshape3A_146 = vector.broadcast %reduce_min3A_145 : i32 to vector<1x1xi32>
      %swap3A_147 = arith.constant 1 : index
      %swap3A_148 = arith.index_cast %scan3A_72 : i32 to index
      %swap3A_149 = arith.constant 0 : index
      %swap3A_150 = vector.load %arg2[%swap3A_147, %swap3A_148, %swap3A_149] : memref<2x2048x1xi32, #tpu.memory_space<vmem>>, vector<1x1x1xi32>
      %swap3A_151 = vector.shape_cast %swap3A_150 : vector<1x1x1xi32> to vector<1x1xi32>
      %swap3A_152 = vector.shape_cast %reshape3A_146 : vector<1x1xi32> to vector<1x1x1xi32>
      tpu.vector_store %arg2[%swap3A_147, %swap3A_148, %swap3A_149], %swap3A_152 {strides = array<i32>} : memref<2x2048x1xi32, #tpu.memory_space<vmem>>, vector<1x1x1xi32>,
      %get3A_153 = arith.constant 1 : index
      %get3A_154 = arith.index_cast %reduce_min3A_145 : i32 to index
      %get3A_155 = arith.constant 0 : index
      %get3A_156 = vector.load %arg1[%get3A_153, %get3A_154, %get3A_155] : memref<2x8192x3xf32, #tpu.memory_space<vmem>>, vector<1x1x3xf32>
      %get3A_157 = vector.shape_cast %get3A_156 : vector<1x1x3xf32> to vector<1x3xf32>
      %swap3A_158 = arith.constant 1 : index
      %swap3A_159 = arith.index_cast %scan3A_72 : i32 to index
      %swap3A_160 = arith.constant 0 : index
      %swap3A_161 = vector.load %arg3[%swap3A_158, %swap3A_159, %swap3A_160] : memref<2x2048x3xf32, #tpu.memory_space<vmem>>, vector<1x1x3xf32>
      %swap3A_162 = vector.shape_cast %swap3A_161 : vector<1x1x3xf32> to vector<1x3xf32>
      %swap3A_163 = vector.shape_cast %get3A_157 : vector<1x3xf32> to vector<1x1x3xf32>
      tpu.vector_store %arg3[%swap3A_158, %swap3A_159, %swap3A_160], %swap3A_163 {strides = array<i32>} : memref<2x2048x3xf32, #tpu.memory_space<vmem>>, vector<1x1x3xf32>,
      scf.yield %min3A, %get3A_109, %min3A_130, %get3A_157 : vector<64x128xf32>, vector<1x3xf32>, vector<64x128xf32>, vector<1x3xf32>
    }
    %scan3A_71 = arith.constant 2047 : i32
    return
  }
}

module attributes {stable_mosaic.version = 14 : i64} {
  func.func @_knn_body(%arg0: i32, %arg1: i32, %arg2: memref<1x256x3xf32, #tpu.memory_space<vmem>>, %arg3: memref<1x8x8192xf32, #tpu.memory_space<vmem>>, %arg4: memref<1x256x16xi32, #tpu.memory_space<vmem>>) attributes {dimension_semantics = [#tpu.dimension_semantics<arbitrary>, #tpu.dimension_semantics<arbitrary>], iteration_bounds = array<i64: 2, 8>, scalar_prefetch = 0 : i64, scratch_operands = 0 : i64, tpu.core_type = #tpu.core_type<tc>, window_params = [{transform_indices = @transform_0, window_bounds = array<i64: 1, 256, 3>}, {transform_indices = @transform_1, window_bounds = array<i64: 1, 8, 8192>}, {transform_indices = @transform_2, window_bounds = array<i64: 1, 256, 16>}]} {
    %get3A = arith.constant 0 : index
    %get3A_0 = arith.constant 0 : index
    %get3A_1 = arith.constant 0 : index
    %get3A_2 = vector.load %arg3[%get3A, %get3A_0, %get3A_1] : memref<1x8x8192xf32, #tpu.memory_space<vmem>>, vector<1x8x8192xf32>
    %get3A_3 = vector.shape_cast %get3A_2 : vector<1x8x8192xf32> to vector<8x8192xf32>
    %get3A_4 = arith.constant 0 : index
    %get3A_5 = arith.constant 0 : index
    %get3A_6 = arith.constant 0 : index
    %get3A_7 = vector.load %arg2[%get3A_4, %get3A_5, %get3A_6] : memref<1x256x3xf32, #tpu.memory_space<vmem>>, vector<1x256x3xf32>
    %get3A_8 = vector.shape_cast %get3A_7 : vector<1x256x3xf32> to vector<256x3xf32>
    %slice3A = vector.extract_strided_slice %get3A_3 {offsets = [0, 0], sizes = [3, 8192], strides = [1, 1]} : vector<8x8192xf32> to vector<3x8192xf32>
    %dot_general3A = arith.constant dense<0.000000e+00> : vector<256x8192xf32>
    %dot_general3A_9 = tpu.matmul %get3A_8, %slice3A, %dot_general3A {dimension_numbers = #tpu.dot_dimension_numbers<[1], [0], [0], [1], [0, 0, 1, 1], [], []>, transpose_lhs_hint = false} : vector<256x3xf32>, vector<3x8192xf32>, vector<256x8192xf32> -> vector<256x8192xf32>
    %slice3A_10 = vector.extract_strided_slice %get3A_8 {offsets = [0, 0], sizes = [256, 1], strides = [1, 1]} : vector<256x3xf32> to vector<256x1xf32>
    %slice3A_11 = vector.extract_strided_slice %get3A_8 {offsets = [0, 0], sizes = [256, 1], strides = [1, 1]} : vector<256x3xf32> to vector<256x1xf32>
    %mul3A = arith.mulf %slice3A_10, %slice3A_11 : vector<256x1xf32>
    %slice3A_12 = vector.extract_strided_slice %get3A_8 {offsets = [0, 1], sizes = [256, 1], strides = [1, 1]} : vector<256x3xf32> to vector<256x1xf32>
    %slice3A_13 = vector.extract_strided_slice %get3A_8 {offsets = [0, 1], sizes = [256, 1], strides = [1, 1]} : vector<256x3xf32> to vector<256x1xf32>
    %mul3A_14 = arith.mulf %slice3A_12, %slice3A_13 : vector<256x1xf32>
    %add3A = arith.addf %mul3A, %mul3A_14 : vector<256x1xf32>
    %slice3A_15 = vector.extract_strided_slice %get3A_8 {offsets = [0, 2], sizes = [256, 1], strides = [1, 1]} : vector<256x3xf32> to vector<256x1xf32>
    %slice3A_16 = vector.extract_strided_slice %get3A_8 {offsets = [0, 2], sizes = [256, 1], strides = [1, 1]} : vector<256x3xf32> to vector<256x1xf32>
    %mul3A_17 = arith.mulf %slice3A_15, %slice3A_16 : vector<256x1xf32>
    %add3A_18 = arith.addf %add3A, %mul3A_17 : vector<256x1xf32>
    %slice3A_19 = vector.extract_strided_slice %get3A_3 {offsets = [0, 0], sizes = [1, 8192], strides = [1, 1]} : vector<8x8192xf32> to vector<1x8192xf32>
    %slice3A_20 = vector.extract_strided_slice %get3A_3 {offsets = [0, 0], sizes = [1, 8192], strides = [1, 1]} : vector<8x8192xf32> to vector<1x8192xf32>
    %mul3A_21 = arith.mulf %slice3A_19, %slice3A_20 : vector<1x8192xf32>
    %slice3A_22 = vector.extract_strided_slice %get3A_3 {offsets = [1, 0], sizes = [1, 8192], strides = [1, 1]} : vector<8x8192xf32> to vector<1x8192xf32>
    %slice3A_23 = vector.extract_strided_slice %get3A_3 {offsets = [1, 0], sizes = [1, 8192], strides = [1, 1]} : vector<8x8192xf32> to vector<1x8192xf32>
    %mul3A_24 = arith.mulf %slice3A_22, %slice3A_23 : vector<1x8192xf32>
    %add3A_25 = arith.addf %mul3A_21, %mul3A_24 : vector<1x8192xf32>
    %slice3A_26 = vector.extract_strided_slice %get3A_3 {offsets = [2, 0], sizes = [1, 8192], strides = [1, 1]} : vector<8x8192xf32> to vector<1x8192xf32>
    %slice3A_27 = vector.extract_strided_slice %get3A_3 {offsets = [2, 0], sizes = [1, 8192], strides = [1, 1]} : vector<8x8192xf32> to vector<1x8192xf32>
    %mul3A_28 = arith.mulf %slice3A_26, %slice3A_27 : vector<1x8192xf32>
    %add3A_29 = arith.addf %add3A_25, %mul3A_28 : vector<1x8192xf32>
    %mul3A_30 = arith.constant -2.000000e+00 : f32
    %mul3A_31 = vector.broadcast %mul3A_30 : f32 to vector<256x8192xf32>
    %mul3A_32 = arith.mulf %mul3A_31, %dot_general3A_9 : vector<256x8192xf32>
    %add3A_33 = vector.broadcast %add3A_18 : vector<256x1xf32> to vector<256x8192xf32>
    %add3A_34 = arith.addf %mul3A_32, %add3A_33 : vector<256x8192xf32>
    %add3A_35 = vector.broadcast %add3A_29 : vector<1x8192xf32> to vector<256x8192xf32>
    %add3A_36 = arith.addf %add3A_34, %add3A_35 : vector<256x8192xf32>
    %iota3A = tpu.iota {dimensions = array<i32: 1>} : vector<256x8192xi32>
    %reduce_min3A = arith.constant dense<0x7F800000> : vector<256xf32>
    %reduce_min3A_37 = vector.multi_reduction <minimumf>, %add3A_36, %reduce_min3A [1] : vector<256x8192xf32> to vector<256xf32>
    %broadcast_in_dim3A = vector.shape_cast %reduce_min3A_37 : vector<256xf32> to vector<256x1xf32>
    %le3A = vector.broadcast %broadcast_in_dim3A : vector<256x1xf32> to vector<256x8192xf32>
    %le3A_38 = arith.cmpf ole, %add3A_36, %le3A : vector<256x8192xf32>
    %jit3A = arith.constant 1073741824 : i32
    %broadcast_in_dim3A_39 = vector.broadcast %jit3A : i32 to vector<256x8192xi32>
    %select_n3A = arith.select %le3A_38, %iota3A, %broadcast_in_dim3A_39 : vector<256x8192xi1>, vector<256x8192xi32>
    %reduce_min3A_40 = arith.constant dense<2147483647> : vector<256xi32>
    %reduce_min3A_41 = vector.multi_reduction <minsi>, %select_n3A, %reduce_min3A_40 [1] : vector<256x8192xi32> to vector<256xi32>
    %broadcast_in_dim3A_42 = vector.shape_cast %reduce_min3A_41 : vector<256xi32> to vector<256x1xi32>
    %eq3A = vector.broadcast %broadcast_in_dim3A_42 : vector<256x1xi32> to vector<256x8192xi32>
    %eq3A_43 = arith.cmpi eq, %iota3A, %eq3A : vector<256x8192xi32>
    %jit3A_44 = arith.constant 3.000000e+38 : f32
    %broadcast_in_dim3A_45 = vector.broadcast %jit3A_44 : f32 to vector<256x8192xf32>
    %select_n3A_46 = arith.select %eq3A_43, %broadcast_in_dim3A_45, %add3A_36 : vector<256x8192xi1>, vector<256x8192xf32>
    %reduce_min3A_47 = arith.constant dense<0x7F800000> : vector<256xf32>
    %reduce_min3A_48 = vector.multi_reduction <minimumf>, %select_n3A_46, %reduce_min3A_47 [1] : vector<256x8192xf32> to vector<256xf32>
    %broadcast_in_dim3A_49 = vector.shape_cast %reduce_min3A_48 : vector<256xf32> to vector<256x1xf32>
    %le3A_50 = vector.broadcast %broadcast_in_dim3A_49 : vector<256x1xf32> to vector<256x8192xf32>
    %le3A_51 = arith.cmpf ole, %select_n3A_46, %le3A_50 : vector<256x8192xf32>
    %jit3A_52 = arith.constant 1073741824 : i32
    %broadcast_in_dim3A_53 = vector.broadcast %jit3A_52 : i32 to vector<256x8192xi32>
    %select_n3A_54 = arith.select %le3A_51, %iota3A, %broadcast_in_dim3A_53 : vector<256x8192xi1>, vector<256x8192xi32>
    %reduce_min3A_55 = arith.constant dense<2147483647> : vector<256xi32>
    %reduce_min3A_56 = vector.multi_reduction <minsi>, %select_n3A_54, %reduce_min3A_55 [1] : vector<256x8192xi32> to vector<256xi32>
    %broadcast_in_dim3A_57 = vector.shape_cast %reduce_min3A_56 : vector<256xi32> to vector<256x1xi32>
    %eq3A_58 = vector.broadcast %broadcast_in_dim3A_57 : vector<256x1xi32> to vector<256x8192xi32>
    %eq3A_59 = arith.cmpi eq, %iota3A, %eq3A_58 : vector<256x8192xi32>
    %jit3A_60 = arith.constant 3.000000e+38 : f32
    %broadcast_in_dim3A_61 = vector.broadcast %jit3A_60 : f32 to vector<256x8192xf32>
    %select_n3A_62 = arith.select %eq3A_59, %broadcast_in_dim3A_61, %select_n3A_46 : vector<256x8192xi1>, vector<256x8192xf32>
    %reduce_min3A_63 = arith.constant dense<0x7F800000> : vector<256xf32>
    %reduce_min3A_64 = vector.multi_reduction <minimumf>, %select_n3A_62, %reduce_min3A_63 [1] : vector<256x8192xf32> to vector<256xf32>
    %broadcast_in_dim3A_65 = vector.shape_cast %reduce_min3A_64 : vector<256xf32> to vector<256x1xf32>
    %le3A_66 = vector.broadcast %broadcast_in_dim3A_65 : vector<256x1xf32> to vector<256x8192xf32>
    %le3A_67 = arith.cmpf ole, %select_n3A_62, %le3A_66 : vector<256x8192xf32>
    %jit3A_68 = arith.constant 1073741824 : i32
    %broadcast_in_dim3A_69 = vector.broadcast %jit3A_68 : i32 to vector<256x8192xi32>
    %select_n3A_70 = arith.select %le3A_67, %iota3A, %broadcast_in_dim3A_69 : vector<256x8192xi1>, vector<256x8192xi32>
    %reduce_min3A_71 = arith.constant dense<2147483647> : vector<256xi32>
    %reduce_min3A_72 = vector.multi_reduction <minsi>, %select_n3A_70, %reduce_min3A_71 [1] : vector<256x8192xi32> to vector<256xi32>
    %broadcast_in_dim3A_73 = vector.shape_cast %reduce_min3A_72 : vector<256xi32> to vector<256x1xi32>
    %eq3A_74 = vector.broadcast %broadcast_in_dim3A_73 : vector<256x1xi32> to vector<256x8192xi32>
    %eq3A_75 = arith.cmpi eq, %iota3A, %eq3A_74 : vector<256x8192xi32>
    %jit3A_76 = arith.constant 3.000000e+38 : f32
    %broadcast_in_dim3A_77 = vector.broadcast %jit3A_76 : f32 to vector<256x8192xf32>
    %select_n3A_78 = arith.select %eq3A_75, %broadcast_in_dim3A_77, %select_n3A_62 : vector<256x8192xi1>, vector<256x8192xf32>
    %reduce_min3A_79 = arith.constant dense<0x7F800000> : vector<256xf32>
    %reduce_min3A_80 = vector.multi_reduction <minimumf>, %select_n3A_78, %reduce_min3A_79 [1] : vector<256x8192xf32> to vector<256xf32>
    %broadcast_in_dim3A_81 = vector.shape_cast %reduce_min3A_80 : vector<256xf32> to vector<256x1xf32>
    %le3A_82 = vector.broadcast %broadcast_in_dim3A_81 : vector<256x1xf32> to vector<256x8192xf32>
    %le3A_83 = arith.cmpf ole, %select_n3A_78, %le3A_82 : vector<256x8192xf32>
    %jit3A_84 = arith.constant 1073741824 : i32
    %broadcast_in_dim3A_85 = vector.broadcast %jit3A_84 : i32 to vector<256x8192xi32>
    %select_n3A_86 = arith.select %le3A_83, %iota3A, %broadcast_in_dim3A_85 : vector<256x8192xi1>, vector<256x8192xi32>
    %reduce_min3A_87 = arith.constant dense<2147483647> : vector<256xi32>
    %reduce_min3A_88 = vector.multi_reduction <minsi>, %select_n3A_86, %reduce_min3A_87 [1] : vector<256x8192xi32> to vector<256xi32>
    %broadcast_in_dim3A_89 = vector.shape_cast %reduce_min3A_88 : vector<256xi32> to vector<256x1xi32>
    %eq3A_90 = vector.broadcast %broadcast_in_dim3A_89 : vector<256x1xi32> to vector<256x8192xi32>
    %eq3A_91 = arith.cmpi eq, %iota3A, %eq3A_90 : vector<256x8192xi32>
    %jit3A_92 = arith.constant 3.000000e+38 : f32
    %broadcast_in_dim3A_93 = vector.broadcast %jit3A_92 : f32 to vector<256x8192xf32>
    %select_n3A_94 = arith.select %eq3A_91, %broadcast_in_dim3A_93, %select_n3A_78 : vector<256x8192xi1>, vector<256x8192xf32>
    %reduce_min3A_95 = arith.constant dense<0x7F800000> : vector<256xf32>
    %reduce_min3A_96 = vector.multi_reduction <minimumf>, %select_n3A_94, %reduce_min3A_95 [1] : vector<256x8192xf32> to vector<256xf32>
    %broadcast_in_dim3A_97 = vector.shape_cast %reduce_min3A_96 : vector<256xf32> to vector<256x1xf32>
    %le3A_98 = vector.broadcast %broadcast_in_dim3A_97 : vector<256x1xf32> to vector<256x8192xf32>
    %le3A_99 = arith.cmpf ole, %select_n3A_94, %le3A_98 : vector<256x8192xf32>
    %jit3A_100 = arith.constant 1073741824 : i32
    %broadcast_in_dim3A_101 = vector.broadcast %jit3A_100 : i32 to vector<256x8192xi32>
    %select_n3A_102 = arith.select %le3A_99, %iota3A, %broadcast_in_dim3A_101 : vector<256x8192xi1>, vector<256x8192xi32>
    %reduce_min3A_103 = arith.constant dense<2147483647> : vector<256xi32>
    %reduce_min3A_104 = vector.multi_reduction <minsi>, %select_n3A_102, %reduce_min3A_103 [1] : vector<256x8192xi32> to vector<256xi32>
    %broadcast_in_dim3A_105 = vector.shape_cast %reduce_min3A_104 : vector<256xi32> to vector<256x1xi32>
    %eq3A_106 = vector.broadcast %broadcast_in_dim3A_105 : vector<256x1xi32> to vector<256x8192xi32>
    %eq3A_107 = arith.cmpi eq, %iota3A, %eq3A_106 : vector<256x8192xi32>
    %jit3A_108 = arith.constant 3.000000e+38 : f32
    %broadcast_in_dim3A_109 = vector.broadcast %jit3A_108 : f32 to vector<256x8192xf32>
    %select_n3A_110 = arith.select %eq3A_107, %broadcast_in_dim3A_109, %select_n3A_94 : vector<256x8192xi1>, vector<256x8192xf32>
    %reduce_min3A_111 = arith.constant dense<0x7F800000> : vector<256xf32>
    %reduce_min3A_112 = vector.multi_reduction <minimumf>, %select_n3A_110, %reduce_min3A_111 [1] : vector<256x8192xf32> to vector<256xf32>
    %broadcast_in_dim3A_113 = vector.shape_cast %reduce_min3A_112 : vector<256xf32> to vector<256x1xf32>
    %le3A_114 = vector.broadcast %broadcast_in_dim3A_113 : vector<256x1xf32> to vector<256x8192xf32>
    %le3A_115 = arith.cmpf ole, %select_n3A_110, %le3A_114 : vector<256x8192xf32>
    %jit3A_116 = arith.constant 1073741824 : i32
    %broadcast_in_dim3A_117 = vector.broadcast %jit3A_116 : i32 to vector<256x8192xi32>
    %select_n3A_118 = arith.select %le3A_115, %iota3A, %broadcast_in_dim3A_117 : vector<256x8192xi1>, vector<256x8192xi32>
    %reduce_min3A_119 = arith.constant dense<2147483647> : vector<256xi32>
    %reduce_min3A_120 = vector.multi_reduction <minsi>, %select_n3A_118, %reduce_min3A_119 [1] : vector<256x8192xi32> to vector<256xi32>
    %broadcast_in_dim3A_121 = vector.shape_cast %reduce_min3A_120 : vector<256xi32> to vector<256x1xi32>
    %eq3A_122 = vector.broadcast %broadcast_in_dim3A_121 : vector<256x1xi32> to vector<256x8192xi32>
    %eq3A_123 = arith.cmpi eq, %iota3A, %eq3A_122 : vector<256x8192xi32>
    %jit3A_124 = arith.constant 3.000000e+38 : f32
    %broadcast_in_dim3A_125 = vector.broadcast %jit3A_124 : f32 to vector<256x8192xf32>
    %select_n3A_126 = arith.select %eq3A_123, %broadcast_in_dim3A_125, %select_n3A_110 : vector<256x8192xi1>, vector<256x8192xf32>
    %reduce_min3A_127 = arith.constant dense<0x7F800000> : vector<256xf32>
    %reduce_min3A_128 = vector.multi_reduction <minimumf>, %select_n3A_126, %reduce_min3A_127 [1] : vector<256x8192xf32> to vector<256xf32>
    %broadcast_in_dim3A_129 = vector.shape_cast %reduce_min3A_128 : vector<256xf32> to vector<256x1xf32>
    %le3A_130 = vector.broadcast %broadcast_in_dim3A_129 : vector<256x1xf32> to vector<256x8192xf32>
    %le3A_131 = arith.cmpf ole, %select_n3A_126, %le3A_130 : vector<256x8192xf32>
    %jit3A_132 = arith.constant 1073741824 : i32
    %broadcast_in_dim3A_133 = vector.broadcast %jit3A_132 : i32 to vector<256x8192xi32>
    %select_n3A_134 = arith.select %le3A_131, %iota3A, %broadcast_in_dim3A_133 : vector<256x8192xi1>, vector<256x8192xi32>
    %reduce_min3A_135 = arith.constant dense<2147483647> : vector<256xi32>
    %reduce_min3A_136 = vector.multi_reduction <minsi>, %select_n3A_134, %reduce_min3A_135 [1] : vector<256x8192xi32> to vector<256xi32>
    %broadcast_in_dim3A_137 = vector.shape_cast %reduce_min3A_136 : vector<256xi32> to vector<256x1xi32>
    %eq3A_138 = vector.broadcast %broadcast_in_dim3A_137 : vector<256x1xi32> to vector<256x8192xi32>
    %eq3A_139 = arith.cmpi eq, %iota3A, %eq3A_138 : vector<256x8192xi32>
    %jit3A_140 = arith.constant 3.000000e+38 : f32
    %broadcast_in_dim3A_141 = vector.broadcast %jit3A_140 : f32 to vector<256x8192xf32>
    %select_n3A_142 = arith.select %eq3A_139, %broadcast_in_dim3A_141, %select_n3A_126 : vector<256x8192xi1>, vector<256x8192xf32>
    %reduce_min3A_143 = arith.constant dense<0x7F800000> : vector<256xf32>
    %reduce_min3A_144 = vector.multi_reduction <minimumf>, %select_n3A_142, %reduce_min3A_143 [1] : vector<256x8192xf32> to vector<256xf32>
    %broadcast_in_dim3A_145 = vector.shape_cast %reduce_min3A_144 : vector<256xf32> to vector<256x1xf32>
    %le3A_146 = vector.broadcast %broadcast_in_dim3A_145 : vector<256x1xf32> to vector<256x8192xf32>
    %le3A_147 = arith.cmpf ole, %select_n3A_142, %le3A_146 : vector<256x8192xf32>
    %jit3A_148 = arith.constant 1073741824 : i32
    %broadcast_in_dim3A_149 = vector.broadcast %jit3A_148 : i32 to vector<256x8192xi32>
    %select_n3A_150 = arith.select %le3A_147, %iota3A, %broadcast_in_dim3A_149 : vector<256x8192xi1>, vector<256x8192xi32>
    %reduce_min3A_151 = arith.constant dense<2147483647> : vector<256xi32>
    %reduce_min3A_152 = vector.multi_reduction <minsi>, %select_n3A_150, %reduce_min3A_151 [1] : vector<256x8192xi32> to vector<256xi32>
    %broadcast_in_dim3A_153 = vector.shape_cast %reduce_min3A_152 : vector<256xi32> to vector<256x1xi32>
    %eq3A_154 = vector.broadcast %broadcast_in_dim3A_153 : vector<256x1xi32> to vector<256x8192xi32>
    %eq3A_155 = arith.cmpi eq, %iota3A, %eq3A_154 : vector<256x8192xi32>
    %jit3A_156 = arith.constant 3.000000e+38 : f32
    %broadcast_in_dim3A_157 = vector.broadcast %jit3A_156 : f32 to vector<256x8192xf32>
    %select_n3A_158 = arith.select %eq3A_155, %broadcast_in_dim3A_157, %select_n3A_142 : vector<256x8192xi1>, vector<256x8192xf32>
    %reduce_min3A_159 = arith.constant dense<0x7F800000> : vector<256xf32>
    %reduce_min3A_160 = vector.multi_reduction <minimumf>, %select_n3A_158, %reduce_min3A_159 [1] : vector<256x8192xf32> to vector<256xf32>
    %broadcast_in_dim3A_161 = vector.shape_cast %reduce_min3A_160 : vector<256xf32> to vector<256x1xf32>
    %le3A_162 = vector.broadcast %broadcast_in_dim3A_161 : vector<256x1xf32> to vector<256x8192xf32>
    %le3A_163 = arith.cmpf ole, %select_n3A_158, %le3A_162 : vector<256x8192xf32>
    %jit3A_164 = arith.constant 1073741824 : i32
    %broadcast_in_dim3A_165 = vector.broadcast %jit3A_164 : i32 to vector<256x8192xi32>
    %select_n3A_166 = arith.select %le3A_163, %iota3A, %broadcast_in_dim3A_165 : vector<256x8192xi1>, vector<256x8192xi32>
    %reduce_min3A_167 = arith.constant dense<2147483647> : vector<256xi32>
    %reduce_min3A_168 = vector.multi_reduction <minsi>, %select_n3A_166, %reduce_min3A_167 [1] : vector<256x8192xi32> to vector<256xi32>
    %broadcast_in_dim3A_169 = vector.shape_cast %reduce_min3A_168 : vector<256xi32> to vector<256x1xi32>
    %eq3A_170 = vector.broadcast %broadcast_in_dim3A_169 : vector<256x1xi32> to vector<256x8192xi32>
    %eq3A_171 = arith.cmpi eq, %iota3A, %eq3A_170 : vector<256x8192xi32>
    %jit3A_172 = arith.constant 3.000000e+38 : f32
    %broadcast_in_dim3A_173 = vector.broadcast %jit3A_172 : f32 to vector<256x8192xf32>
    %select_n3A_174 = arith.select %eq3A_171, %broadcast_in_dim3A_173, %select_n3A_158 : vector<256x8192xi1>, vector<256x8192xf32>
    %reduce_min3A_175 = arith.constant dense<0x7F800000> : vector<256xf32>
    %reduce_min3A_176 = vector.multi_reduction <minimumf>, %select_n3A_174, %reduce_min3A_175 [1] : vector<256x8192xf32> to vector<256xf32>
    %broadcast_in_dim3A_177 = vector.shape_cast %reduce_min3A_176 : vector<256xf32> to vector<256x1xf32>
    %le3A_178 = vector.broadcast %broadcast_in_dim3A_177 : vector<256x1xf32> to vector<256x8192xf32>
    %le3A_179 = arith.cmpf ole, %select_n3A_174, %le3A_178 : vector<256x8192xf32>
    %jit3A_180 = arith.constant 1073741824 : i32
    %broadcast_in_dim3A_181 = vector.broadcast %jit3A_180 : i32 to vector<256x8192xi32>
    %select_n3A_182 = arith.select %le3A_179, %iota3A, %broadcast_in_dim3A_181 : vector<256x8192xi1>, vector<256x8192xi32>
    %reduce_min3A_183 = arith.constant dense<2147483647> : vector<256xi32>
    %reduce_min3A_184 = vector.multi_reduction <minsi>, %select_n3A_182, %reduce_min3A_183 [1] : vector<256x8192xi32> to vector<256xi32>
    %broadcast_in_dim3A_185 = vector.shape_cast %reduce_min3A_184 : vector<256xi32> to vector<256x1xi32>
    %eq3A_186 = vector.broadcast %broadcast_in_dim3A_185 : vector<256x1xi32> to vector<256x8192xi32>
    %eq3A_187 = arith.cmpi eq, %iota3A, %eq3A_186 : vector<256x8192xi32>
    %jit3A_188 = arith.constant 3.000000e+38 : f32
    %broadcast_in_dim3A_189 = vector.broadcast %jit3A_188 : f32 to vector<256x8192xf32>
    %select_n3A_190 = arith.select %eq3A_187, %broadcast_in_dim3A_189, %select_n3A_174 : vector<256x8192xi1>, vector<256x8192xf32>
    %reduce_min3A_191 = arith.constant dense<0x7F800000> : vector<256xf32>
    %reduce_min3A_192 = vector.multi_reduction <minimumf>, %select_n3A_190, %reduce_min3A_191 [1] : vector<256x8192xf32> to vector<256xf32>
    %broadcast_in_dim3A_193 = vector.shape_cast %reduce_min3A_192 : vector<256xf32> to vector<256x1xf32>
    %le3A_194 = vector.broadcast %broadcast_in_dim3A_193 : vector<256x1xf32> to vector<256x8192xf32>
    %le3A_195 = arith.cmpf ole, %select_n3A_190, %le3A_194 : vector<256x8192xf32>
    %jit3A_196 = arith.constant 1073741824 : i32
    %broadcast_in_dim3A_197 = vector.broadcast %jit3A_196 : i32 to vector<256x8192xi32>
    %select_n3A_198 = arith.select %le3A_195, %iota3A, %broadcast_in_dim3A_197 : vector<256x8192xi1>, vector<256x8192xi32>
    %reduce_min3A_199 = arith.constant dense<2147483647> : vector<256xi32>
    %reduce_min3A_200 = vector.multi_reduction <minsi>, %select_n3A_198, %reduce_min3A_199 [1] : vector<256x8192xi32> to vector<256xi32>
    %broadcast_in_dim3A_201 = vector.shape_cast %reduce_min3A_200 : vector<256xi32> to vector<256x1xi32>
    %eq3A_202 = vector.broadcast %broadcast_in_dim3A_201 : vector<256x1xi32> to vector<256x8192xi32>
    %eq3A_203 = arith.cmpi eq, %iota3A, %eq3A_202 : vector<256x8192xi32>
    %jit3A_204 = arith.constant 3.000000e+38 : f32
    %broadcast_in_dim3A_205 = vector.broadcast %jit3A_204 : f32 to vector<256x8192xf32>
    %select_n3A_206 = arith.select %eq3A_203, %broadcast_in_dim3A_205, %select_n3A_190 : vector<256x8192xi1>, vector<256x8192xf32>
    %reduce_min3A_207 = arith.constant dense<0x7F800000> : vector<256xf32>
    %reduce_min3A_208 = vector.multi_reduction <minimumf>, %select_n3A_206, %reduce_min3A_207 [1] : vector<256x8192xf32> to vector<256xf32>
    %broadcast_in_dim3A_209 = vector.shape_cast %reduce_min3A_208 : vector<256xf32> to vector<256x1xf32>
    %le3A_210 = vector.broadcast %broadcast_in_dim3A_209 : vector<256x1xf32> to vector<256x8192xf32>
    %le3A_211 = arith.cmpf ole, %select_n3A_206, %le3A_210 : vector<256x8192xf32>
    %jit3A_212 = arith.constant 1073741824 : i32
    %broadcast_in_dim3A_213 = vector.broadcast %jit3A_212 : i32 to vector<256x8192xi32>
    %select_n3A_214 = arith.select %le3A_211, %iota3A, %broadcast_in_dim3A_213 : vector<256x8192xi1>, vector<256x8192xi32>
    %reduce_min3A_215 = arith.constant dense<2147483647> : vector<256xi32>
    %reduce_min3A_216 = vector.multi_reduction <minsi>, %select_n3A_214, %reduce_min3A_215 [1] : vector<256x8192xi32> to vector<256xi32>
    %broadcast_in_dim3A_217 = vector.shape_cast %reduce_min3A_216 : vector<256xi32> to vector<256x1xi32>
    %eq3A_218 = vector.broadcast %broadcast_in_dim3A_217 : vector<256x1xi32> to vector<256x8192xi32>
    %eq3A_219 = arith.cmpi eq, %iota3A, %eq3A_218 : vector<256x8192xi32>
    %jit3A_220 = arith.constant 3.000000e+38 : f32
    %broadcast_in_dim3A_221 = vector.broadcast %jit3A_220 : f32 to vector<256x8192xf32>
    %select_n3A_222 = arith.select %eq3A_219, %broadcast_in_dim3A_221, %select_n3A_206 : vector<256x8192xi1>, vector<256x8192xf32>
    %reduce_min3A_223 = arith.constant dense<0x7F800000> : vector<256xf32>
    %reduce_min3A_224 = vector.multi_reduction <minimumf>, %select_n3A_222, %reduce_min3A_223 [1] : vector<256x8192xf32> to vector<256xf32>
    %broadcast_in_dim3A_225 = vector.shape_cast %reduce_min3A_224 : vector<256xf32> to vector<256x1xf32>
    %le3A_226 = vector.broadcast %broadcast_in_dim3A_225 : vector<256x1xf32> to vector<256x8192xf32>
    %le3A_227 = arith.cmpf ole, %select_n3A_222, %le3A_226 : vector<256x8192xf32>
    %jit3A_228 = arith.constant 1073741824 : i32
    %broadcast_in_dim3A_229 = vector.broadcast %jit3A_228 : i32 to vector<256x8192xi32>
    %select_n3A_230 = arith.select %le3A_227, %iota3A, %broadcast_in_dim3A_229 : vector<256x8192xi1>, vector<256x8192xi32>
    %reduce_min3A_231 = arith.constant dense<2147483647> : vector<256xi32>
    %reduce_min3A_232 = vector.multi_reduction <minsi>, %select_n3A_230, %reduce_min3A_231 [1] : vector<256x8192xi32> to vector<256xi32>
    %broadcast_in_dim3A_233 = vector.shape_cast %reduce_min3A_232 : vector<256xi32> to vector<256x1xi32>
    %eq3A_234 = vector.broadcast %broadcast_in_dim3A_233 : vector<256x1xi32> to vector<256x8192xi32>
    %eq3A_235 = arith.cmpi eq, %iota3A, %eq3A_234 : vector<256x8192xi32>
    %jit3A_236 = arith.constant 3.000000e+38 : f32
    %broadcast_in_dim3A_237 = vector.broadcast %jit3A_236 : f32 to vector<256x8192xf32>
    %select_n3A_238 = arith.select %eq3A_235, %broadcast_in_dim3A_237, %select_n3A_222 : vector<256x8192xi1>, vector<256x8192xf32>
    %reduce_min3A_239 = arith.constant dense<0x7F800000> : vector<256xf32>
    %reduce_min3A_240 = vector.multi_reduction <minimumf>, %select_n3A_238, %reduce_min3A_239 [1] : vector<256x8192xf32> to vector<256xf32>
    %broadcast_in_dim3A_241 = vector.shape_cast %reduce_min3A_240 : vector<256xf32> to vector<256x1xf32>
    %le3A_242 = vector.broadcast %broadcast_in_dim3A_241 : vector<256x1xf32> to vector<256x8192xf32>
    %le3A_243 = arith.cmpf ole, %select_n3A_238, %le3A_242 : vector<256x8192xf32>
    %jit3A_244 = arith.constant 1073741824 : i32
    %broadcast_in_dim3A_245 = vector.broadcast %jit3A_244 : i32 to vector<256x8192xi32>
    %select_n3A_246 = arith.select %le3A_243, %iota3A, %broadcast_in_dim3A_245 : vector<256x8192xi1>, vector<256x8192xi32>
    %reduce_min3A_247 = arith.constant dense<2147483647> : vector<256xi32>
    %reduce_min3A_248 = vector.multi_reduction <minsi>, %select_n3A_246, %reduce_min3A_247 [1] : vector<256x8192xi32> to vector<256xi32>
    %broadcast_in_dim3A_249 = vector.shape_cast %reduce_min3A_248 : vector<256xi32> to vector<256x1xi32>
    %eq3A_250 = vector.broadcast %broadcast_in_dim3A_249 : vector<256x1xi32> to vector<256x8192xi32>
    %eq3A_251 = arith.cmpi eq, %iota3A, %eq3A_250 : vector<256x8192xi32>
    %jit3A_252 = arith.constant 3.000000e+38 : f32
    %broadcast_in_dim3A_253 = vector.broadcast %jit3A_252 : f32 to vector<256x8192xf32>
    %select_n3A_254 = arith.select %eq3A_251, %broadcast_in_dim3A_253, %select_n3A_238 : vector<256x8192xi1>, vector<256x8192xf32>
    %reduce_min3A_255 = arith.constant dense<0x7F800000> : vector<256xf32>
    %reduce_min3A_256 = vector.multi_reduction <minimumf>, %select_n3A_254, %reduce_min3A_255 [1] : vector<256x8192xf32> to vector<256xf32>
    %broadcast_in_dim3A_257 = vector.shape_cast %reduce_min3A_256 : vector<256xf32> to vector<256x1xf32>
    %le3A_258 = vector.broadcast %broadcast_in_dim3A_257 : vector<256x1xf32> to vector<256x8192xf32>
    %le3A_259 = arith.cmpf ole, %select_n3A_254, %le3A_258 : vector<256x8192xf32>
    %jit3A_260 = arith.constant 1073741824 : i32
    %broadcast_in_dim3A_261 = vector.broadcast %jit3A_260 : i32 to vector<256x8192xi32>
    %select_n3A_262 = arith.select %le3A_259, %iota3A, %broadcast_in_dim3A_261 : vector<256x8192xi1>, vector<256x8192xi32>
    %reduce_min3A_263 = arith.constant dense<2147483647> : vector<256xi32>
    %reduce_min3A_264 = vector.multi_reduction <minsi>, %select_n3A_262, %reduce_min3A_263 [1] : vector<256x8192xi32> to vector<256xi32>
    %broadcast_in_dim3A_265 = vector.shape_cast %reduce_min3A_264 : vector<256xi32> to vector<256x1xi32>
    %eq3A_266 = vector.broadcast %broadcast_in_dim3A_265 : vector<256x1xi32> to vector<256x8192xi32>
    %eq3A_267 = arith.cmpi eq, %iota3A, %eq3A_266 : vector<256x8192xi32>
    %jit3A_268 = arith.constant 3.000000e+38 : f32
    %broadcast_in_dim3A_269 = vector.broadcast %jit3A_268 : f32 to vector<256x8192xf32>
    %select_n3A_270 = arith.select %eq3A_267, %broadcast_in_dim3A_269, %select_n3A_254 : vector<256x8192xi1>, vector<256x8192xf32>
    %reduce_min3A_271 = arith.constant dense<0x7F800000> : vector<256xf32>
    %reduce_min3A_272 = vector.multi_reduction <minimumf>, %select_n3A_270, %reduce_min3A_271 [1] : vector<256x8192xf32> to vector<256xf32>
    %broadcast_in_dim3A_273 = vector.shape_cast %reduce_min3A_272 : vector<256xf32> to vector<256x1xf32>
    %le3A_274 = vector.broadcast %broadcast_in_dim3A_273 : vector<256x1xf32> to vector<256x8192xf32>
    %le3A_275 = arith.cmpf ole, %select_n3A_270, %le3A_274 : vector<256x8192xf32>
    %jit3A_276 = arith.constant 1073741824 : i32
    %broadcast_in_dim3A_277 = vector.broadcast %jit3A_276 : i32 to vector<256x8192xi32>
    %select_n3A_278 = arith.select %le3A_275, %iota3A, %broadcast_in_dim3A_277 : vector<256x8192xi1>, vector<256x8192xi32>
    %reduce_min3A_279 = arith.constant dense<2147483647> : vector<256xi32>
    %reduce_min3A_280 = vector.multi_reduction <minsi>, %select_n3A_278, %reduce_min3A_279 [1] : vector<256x8192xi32> to vector<256xi32>
    %broadcast_in_dim3A_281 = vector.shape_cast %reduce_min3A_280 : vector<256xi32> to vector<256x1xi32>
    %concatenate3A = tpu.concatenate %broadcast_in_dim3A_42, %broadcast_in_dim3A_57, %broadcast_in_dim3A_73, %broadcast_in_dim3A_89, %broadcast_in_dim3A_105, %broadcast_in_dim3A_121, %broadcast_in_dim3A_137, %broadcast_in_dim3A_153, %broadcast_in_dim3A_169, %broadcast_in_dim3A_185, %broadcast_in_dim3A_201, %broadcast_in_dim3A_217, %broadcast_in_dim3A_233, %broadcast_in_dim3A_249, %broadcast_in_dim3A_265, %broadcast_in_dim3A_281 in 1 : vector<256x1xi32>, vector<256x1xi32>, vector<256x1xi32>, vector<256x1xi32>, vector<256x1xi32>, vector<256x1xi32>, vector<256x1xi32>, vector<256x1xi32>, vector<256x1xi32>, vector<256x1xi32>, vector<256x1xi32>, vector<256x1xi32>, vector<256x1xi32>, vector<256x1xi32>, vector<256x1xi32>, vector<256x1xi32> -> vector<256x16xi32>
    %mul3A_282 = arith.constant 8192 : i32
    %mul3A_283 = arith.muli %arg0, %mul3A_282 : i32
    %add3A_284 = vector.broadcast %mul3A_283 : i32 to vector<256x16xi32>
    %add3A_285 = arith.addi %concatenate3A, %add3A_284 : vector<256x16xi32>
    %swap3A = arith.constant 0 : index
    %swap3A_286 = arith.constant 0 : index
    %swap3A_287 = arith.constant 0 : index
    %swap3A_288 = vector.load %arg4[%swap3A, %swap3A_286, %swap3A_287] : memref<1x256x16xi32, #tpu.memory_space<vmem>>, vector<1x256x16xi32>
    %swap3A_289 = vector.shape_cast %swap3A_288 : vector<1x256x16xi32> to vector<256x16xi32>
    %swap3A_290 = vector.shape_cast %add3A_285 : vector<256x16xi32> to vector<1x256x16xi32>
    tpu.vector_store %arg4[%swap3A, %swap3A_286, %swap3A_287], %swap3A_290 {strides = array<i32>} : memref<1x256x16xi32, #tpu.memory_space<vmem>>, vector<1x256x16xi32>,
    return
  }
  func.func @transform_0(%arg0: i32, %arg1: i32) -> (i32, i32, i32) {
    %c0_i32 = arith.constant 0 : i32
    %c0_i32_0 = arith.constant 0 : i32
    return %arg0, %arg1, %c0_i32 : i32, i32, i32
  }
  func.func @transform_1(%arg0: i32, %arg1: i32) -> (i32, i32, i32) {
    %c0_i32 = arith.constant 0 : i32
    %c0_i32_0 = arith.constant 0 : i32
    %c0_i32_1 = arith.constant 0 : i32
    return %arg0, %c0_i32, %c0_i32_0 : i32, i32, i32
  }
  func.func @transform_2(%arg0: i32, %arg1: i32) -> (i32, i32, i32) {
    %c0_i32 = arith.constant 0 : i32
    %c0_i32_0 = arith.constant 0 : i32
    return %arg0, %arg1, %c0_i32 : i32, i32, i32
  }
}

module attributes {stable_mosaic.version = 14 : i64} {
  func.func @_p1_body(%arg0: i32, %arg1: memref<8192x16xf32, #tpu.memory_space<vmem>>, %arg2: memref<512x16xf32, #tpu.memory_space<vmem>>, %arg3: memref<1x16xf32, #tpu.memory_space<vmem>>, %arg4: memref<16x16xf32, #tpu.memory_space<vmem>>) attributes {dimension_semantics = [#tpu.dimension_semantics<arbitrary>], iteration_bounds = array<i64: 8>, scalar_prefetch = 0 : i64, scratch_operands = 0 : i64, tpu.core_type = #tpu.core_type<tc>, window_params = [{transform_indices = @transform_0, window_bounds = array<i64: 8192, 16>}, {transform_indices = @transform_1, window_bounds = array<i64: 512, 16>}, {pipeline_mode = #tpu.pipeline_mode<synchronous>, transform_indices = @transform_2, window_bounds = array<i64: 1, 16>}, {pipeline_mode = #tpu.pipeline_mode<synchronous>, transform_indices = @transform_3, window_bounds = array<i64: 16, 16>}]} {
    %get3A = arith.constant 0 : index
    %get3A_0 = arith.constant 0 : index
    %get3A_1 = vector.load %arg1[%get3A, %get3A_0] : memref<8192x16xf32, #tpu.memory_space<vmem>>, vector<8192x16xf32>
    %reshape3A = vector.shape_cast %get3A_1 : vector<8192x16xf32> to vector<512x16x16xf32>
    %get3A_2 = arith.constant 0 : index
    %get3A_3 = arith.constant 0 : index
    %get3A_4 = vector.load %arg2[%get3A_2, %get3A_3] : memref<512x16xf32, #tpu.memory_space<vmem>>, vector<512x16xf32>
    %broadcast_in_dim3A = vector.shape_cast %get3A_4 : vector<512x16xf32> to vector<512x1x16xf32>
    %sub3A = vector.broadcast %broadcast_in_dim3A : vector<512x1x16xf32> to vector<512x16x16xf32>
    %sub3A_5 = arith.subf %reshape3A, %sub3A : vector<512x16x16xf32>
    %reshape3A_6 = vector.shape_cast %sub3A_5 : vector<512x16x16xf32> to vector<8192x16xf32>
    %reduce_sum3A = arith.constant dense<0.000000e+00> : vector<16xf32>
    %reduce_sum3A_7 = vector.multi_reduction <add>, %reshape3A_6, %reduce_sum3A [0] : vector<8192x16xf32> to vector<16xf32>
    %broadcast_in_dim3A_8 = vector.shape_cast %reduce_sum3A_7 : vector<16xf32> to vector<1x16xf32>
    %dot_general3A = arith.constant dense<0.000000e+00> : vector<16x16xf32>
    %dot_general3A_9 = tpu.matmul %reshape3A_6, %reshape3A_6, %dot_general3A {dimension_numbers = #tpu.dot_dimension_numbers<[0], [0], [1], [1], [0, 1, 1, 1], [], []>, transpose_lhs_hint = false} : vector<8192x16xf32>, vector<8192x16xf32>, vector<16x16xf32> -> vector<16x16xf32>
    %eq3A = arith.constant 0 : i32
    %eq3A_10 = arith.cmpi eq, %arg0, %eq3A : i32
    %convert_element_type3A = arith.extui %eq3A_10 : i1 to i32
    %cond3A = arith.constant 0 : i32
    %cond3A_11 = arith.cmpi ne, %convert_element_type3A, %cond3A : i32
    scf.if %cond3A_11 {
      %broadcast_in_dim3A_24 = arith.constant 0.000000e+00 : f32
      %broadcast_in_dim3A_25 = vector.broadcast %broadcast_in_dim3A_24 : f32 to vector<1x16xf32>
      %swap3A_26 = arith.constant 0 : index
      %swap3A_27 = arith.constant 0 : index
      %swap3A_28 = vector.load %arg3[%swap3A_26, %swap3A_27] : memref<1x16xf32, #tpu.memory_space<vmem>>, vector<1x16xf32>
      tpu.vector_store %arg3[%swap3A_26, %swap3A_27], %broadcast_in_dim3A_25 {strides = array<i32>} : memref<1x16xf32, #tpu.memory_space<vmem>>, vector<1x16xf32>,
      %broadcast_in_dim3A_29 = arith.constant 0.000000e+00 : f32
      %broadcast_in_dim3A_30 = vector.broadcast %broadcast_in_dim3A_29 : f32 to vector<16x16xf32>
      %swap3A_31 = arith.constant 0 : index
      %swap3A_32 = arith.constant 0 : index
      %swap3A_33 = vector.load %arg4[%swap3A_31, %swap3A_32] : memref<16x16xf32, #tpu.memory_space<vmem>>, vector<16x16xf32>
      tpu.vector_store %arg4[%swap3A_31, %swap3A_32], %broadcast_in_dim3A_30 {strides = array<i32>} : memref<16x16xf32, #tpu.memory_space<vmem>>, vector<16x16xf32>,
    } else {
    }
    %get3A_12 = arith.constant 0 : index
    %get3A_13 = arith.constant 0 : index
    %get3A_14 = vector.load %arg3[%get3A_12, %get3A_13] : memref<1x16xf32, #tpu.memory_space<vmem>>, vector<1x16xf32>
    %add3A = arith.addf %get3A_14, %broadcast_in_dim3A_8 : vector<1x16xf32>
    %swap3A = arith.constant 0 : index
    %swap3A_15 = arith.constant 0 : index
    %swap3A_16 = vector.load %arg3[%swap3A, %swap3A_15] : memref<1x16xf32, #tpu.memory_space<vmem>>, vector<1x16xf32>
    tpu.vector_store %arg3[%swap3A, %swap3A_15], %add3A {strides = array<i32>} : memref<1x16xf32, #tpu.memory_space<vmem>>, vector<1x16xf32>,
    %get3A_17 = arith.constant 0 : index
    %get3A_18 = arith.constant 0 : index
    %get3A_19 = vector.load %arg4[%get3A_17, %get3A_18] : memref<16x16xf32, #tpu.memory_space<vmem>>, vector<16x16xf32>
    %add3A_20 = arith.addf %get3A_19, %dot_general3A_9 : vector<16x16xf32>
    %swap3A_21 = arith.constant 0 : index
    %swap3A_22 = arith.constant 0 : index
    %swap3A_23 = vector.load %arg4[%swap3A_21, %swap3A_22] : memref<16x16xf32, #tpu.memory_space<vmem>>, vector<16x16xf32>
    tpu.vector_store %arg4[%swap3A_21, %swap3A_22], %add3A_20 {strides = array<i32>} : memref<16x16xf32, #tpu.memory_space<vmem>>, vector<16x16xf32>,
    return
  }
  func.func @transform_0(%arg0: i32) -> (i32, i32) {
    %c0_i32 = arith.constant 0 : i32
    %c0_i32_0 = arith.constant 0 : i32
    return %arg0, %c0_i32 : i32, i32
  }
  func.func @transform_1(%arg0: i32) -> (i32, i32) {
    %c0_i32 = arith.constant 0 : i32
    %c0_i32_0 = arith.constant 0 : i32
    return %arg0, %c0_i32 : i32, i32
  }
  func.func @transform_2(%arg0: i32) -> (i32, i32) {
    %c0_i32 = arith.constant 0 : i32
    %c0_i32_0 = arith.constant 0 : i32
    %c0_i32_1 = arith.constant 0 : i32
    return %c0_i32, %c0_i32_0 : i32, i32
  }
  func.func @transform_3(%arg0: i32) -> (i32, i32) {
    %c0_i32 = arith.constant 0 : i32
    %c0_i32_0 = arith.constant 0 : i32
    %c0_i32_1 = arith.constant 0 : i32
    return %c0_i32, %c0_i32_0 : i32, i32
  }
}

module attributes {stable_mosaic.version = 14 : i64} {
  func.func @_p2_body(%arg0: i32, %arg1: memref<8192x16xf32, #tpu.memory_space<vmem>>, %arg2: memref<512x16xf32, #tpu.memory_space<vmem>>, %arg3: memref<16x16xf32, #tpu.memory_space<vmem>>, %arg4: memref<1x16xf32, #tpu.memory_space<vmem>>, %arg5: memref<16x16xf32, #tpu.memory_space<vmem>>, %arg6: memref<1x16xf32, #tpu.memory_space<vmem>>, %arg7: memref<1x16xf32, #tpu.memory_space<vmem>>, %arg8: memref<16x1xf32, #tpu.memory_space<vmem>>, %arg9: memref<512x16xf32, #tpu.memory_space<vmem>>, %arg10: memref<1x128xf32, #tpu.memory_space<vmem>>) attributes {dimension_semantics = [#tpu.dimension_semantics<arbitrary>], iteration_bounds = array<i64: 8>, scalar_prefetch = 0 : i64, scratch_operands = 0 : i64, tpu.core_type = #tpu.core_type<tc>, window_params = [{transform_indices = @transform_0, window_bounds = array<i64: 8192, 16>}, {transform_indices = @transform_1, window_bounds = array<i64: 512, 16>}, {pipeline_mode = #tpu.pipeline_mode<synchronous>, transform_indices = @transform_2, window_bounds = array<i64: 16, 16>}, {pipeline_mode = #tpu.pipeline_mode<synchronous>, transform_indices = @transform_3, window_bounds = array<i64: 1, 16>}, {pipeline_mode = #tpu.pipeline_mode<synchronous>, transform_indices = @transform_4, window_bounds = array<i64: 16, 16>}, {pipeline_mode = #tpu.pipeline_mode<synchronous>, transform_indices = @transform_5, window_bounds = array<i64: 1, 16>}, {pipeline_mode = #tpu.pipeline_mode<synchronous>, transform_indices = @transform_6, window_bounds = array<i64: 1, 16>}, {pipeline_mode = #tpu.pipeline_mode<synchronous>, transform_indices = @transform_7, window_bounds = array<i64: 16, 1>}, {transform_indices = @transform_8, window_bounds = array<i64: 512, 16>}, {pipeline_mode = #tpu.pipeline_mode<synchronous>, transform_indices = @transform_9, window_bounds = array<i64: 1, 128>}]} {
    %get3A = arith.constant 0 : index
    %get3A_0 = arith.constant 0 : index
    %get3A_1 = vector.load %arg3[%get3A, %get3A_0] : memref<16x16xf32, #tpu.memory_space<vmem>>, vector<16x16xf32>
    %get3A_2 = arith.constant 0 : index
    %get3A_3 = arith.constant 0 : index
    %get3A_4 = vector.load %arg4[%get3A_2, %get3A_3] : memref<1x16xf32, #tpu.memory_space<vmem>>, vector<1x16xf32>
    %dot_general3A = arith.constant dense<0.000000e+00> : vector<1x16xf32>
    %dot_general3A_5 = tpu.matmul %get3A_4, %get3A_1, %dot_general3A {dimension_numbers = #tpu.dot_dimension_numbers<[1], [0], [0], [1], [0, 0, 1, 1], [], []>, transpose_lhs_hint = false} : vector<1x16xf32>, vector<16x16xf32>, vector<1x16xf32> -> vector<1x16xf32>
    %mul3A = arith.constant 1.52587891E-5 : f32
    %mul3A_6 = vector.broadcast %mul3A : f32 to vector<1x16xf32>
    %mul3A_7 = arith.mulf %dot_general3A_5, %mul3A_6 : vector<1x16xf32>
    %get3A_8 = arith.constant 0 : index
    %get3A_9 = arith.constant 0 : index
    %get3A_10 = vector.load %arg5[%get3A_8, %get3A_9] : memref<16x16xf32, #tpu.memory_space<vmem>>, vector<16x16xf32>
    %dot_general3A_11 = arith.constant dense<0.000000e+00> : vector<16x16xf32>
    %dot_general3A_12 = tpu.matmul %get3A_10, %get3A_1, %dot_general3A_11 {dimension_numbers = #tpu.dot_dimension_numbers<[1], [0], [0], [1], [0, 0, 1, 1], [], []>, transpose_lhs_hint = false} : vector<16x16xf32>, vector<16x16xf32>, vector<16x16xf32> -> vector<16x16xf32>
    %mul3A_13 = arith.mulf %dot_general3A_12, %get3A_1 : vector<16x16xf32>
    %reduce_sum3A = arith.constant dense<0.000000e+00> : vector<16xf32>
    %reduce_sum3A_14 = vector.multi_reduction <add>, %mul3A_13, %reduce_sum3A [0] : vector<16x16xf32> to vector<16xf32>
    %broadcast_in_dim3A = vector.shape_cast %reduce_sum3A_14 : vector<16xf32> to vector<1x16xf32>
    %mul3A_15 = arith.constant 1.52587891E-5 : f32
    %mul3A_16 = vector.broadcast %mul3A_15 : f32 to vector<1x16xf32>
    %mul3A_17 = arith.mulf %broadcast_in_dim3A, %mul3A_16 : vector<1x16xf32>
    %mul3A_18 = arith.mulf %mul3A_7, %mul3A_7 : vector<1x16xf32>
    %sub3A = arith.subf %mul3A_17, %mul3A_18 : vector<1x16xf32>
    %get3A_19 = arith.constant 0 : index
    %get3A_20 = arith.constant 0 : index
    %get3A_21 = vector.load %arg6[%get3A_19, %get3A_20] : memref<1x16xf32, #tpu.memory_space<vmem>>, vector<1x16xf32>
    %add3A = arith.constant 9.99999974E-6 : f32
    %add3A_22 = vector.broadcast %add3A : f32 to vector<1x16xf32>
    %add3A_23 = arith.addf %sub3A, %add3A_22 : vector<1x16xf32>
    %sqrt3A = math.sqrt %add3A_23 : vector<1x16xf32>
    %div3A = arith.divf %get3A_21, %sqrt3A : vector<1x16xf32>
    %get3A_24 = arith.constant 0 : index
    %get3A_25 = arith.constant 0 : index
    %get3A_26 = vector.load %arg7[%get3A_24, %get3A_25] : memref<1x16xf32, #tpu.memory_space<vmem>>, vector<1x16xf32>
    %mul3A_27 = arith.mulf %mul3A_7, %div3A : vector<1x16xf32>
    %sub3A_28 = arith.subf %get3A_26, %mul3A_27 : vector<1x16xf32>
    %get3A_29 = arith.constant 0 : index
    %get3A_30 = arith.constant 0 : index
    %get3A_31 = vector.load %arg1[%get3A_29, %get3A_30] : memref<8192x16xf32, #tpu.memory_space<vmem>>, vector<8192x16xf32>
    %reshape3A = vector.shape_cast %get3A_31 : vector<8192x16xf32> to vector<512x16x16xf32>
    %get3A_32 = arith.constant 0 : index
    %get3A_33 = arith.constant 0 : index
    %get3A_34 = vector.load %arg2[%get3A_32, %get3A_33] : memref<512x16xf32, #tpu.memory_space<vmem>>, vector<512x16xf32>
    %broadcast_in_dim3A_35 = vector.shape_cast %get3A_34 : vector<512x16xf32> to vector<512x1x16xf32>
    %sub3A_36 = vector.broadcast %broadcast_in_dim3A_35 : vector<512x1x16xf32> to vector<512x16x16xf32>
    %sub3A_37 = arith.subf %reshape3A, %sub3A_36 : vector<512x16x16xf32>
    %reshape3A_38 = vector.shape_cast %sub3A_37 : vector<512x16x16xf32> to vector<8192x16xf32>
    %dot_general3A_39 = arith.constant dense<0.000000e+00> : vector<8192x16xf32>
    %dot_general3A_40 = tpu.matmul %reshape3A_38, %get3A_1, %dot_general3A_39 {dimension_numbers = #tpu.dot_dimension_numbers<[1], [0], [0], [1], [0, 0, 1, 1], [], []>, transpose_lhs_hint = false} : vector<8192x16xf32>, vector<16x16xf32>, vector<8192x16xf32> -> vector<8192x16xf32>
    %mul3A_41 = vector.broadcast %div3A : vector<1x16xf32> to vector<8192x16xf32>
    %mul3A_42 = arith.mulf %dot_general3A_40, %mul3A_41 : vector<8192x16xf32>
    %add3A_43 = vector.broadcast %sub3A_28 : vector<1x16xf32> to vector<8192x16xf32>
    %add3A_44 = arith.addf %mul3A_42, %add3A_43 : vector<8192x16xf32>
    %ge3A = arith.constant 0.000000e+00 : f32
    %ge3A_45 = vector.broadcast %ge3A : f32 to vector<8192x16xf32>
    %ge3A_46 = arith.cmpf oge, %add3A_44, %ge3A_45 : vector<8192x16xf32>
    %mul3A_47 = arith.constant 1.000000e-01 : f32
    %mul3A_48 = vector.broadcast %mul3A_47 : f32 to vector<8192x16xf32>
    %mul3A_49 = arith.mulf %mul3A_48, %add3A_44 : vector<8192x16xf32>
    %select_n3A = arith.select %ge3A_46, %add3A_44, %mul3A_49 : vector<8192x16xi1>, vector<8192x16xf32>
    %get3A_50 = arith.constant 0 : index
    %get3A_51 = arith.constant 0 : index
    %get3A_52 = vector.load %arg8[%get3A_50, %get3A_51] : memref<16x1xf32, #tpu.memory_space<vmem>>, vector<16x1xf32>
    %dot_general3A_53 = arith.constant dense<0.000000e+00> : vector<8192x1xf32>
    %dot_general3A_54 = tpu.matmul %reshape3A_38, %get3A_52, %dot_general3A_53 {dimension_numbers = #tpu.dot_dimension_numbers<[1], [0], [0], [1], [0, 0, 1, 1], [], []>, transpose_lhs_hint = false} : vector<8192x16xf32>, vector<16x1xf32>, vector<8192x1xf32> -> vector<8192x1xf32>
    %mul3A_55 = vector.broadcast %dot_general3A_54 : vector<8192x1xf32> to vector<8192x16xf32>
    %mul3A_56 = arith.mulf %select_n3A, %mul3A_55 : vector<8192x16xf32>
    %reshape3A_57 = vector.shape_cast %mul3A_56 : vector<8192x16xf32> to vector<512x16x16xf32>
    %reduce_sum3A_58 = arith.constant dense<0.000000e+00> : vector<512x16xf32>
    %reduce_sum3A_59 = vector.multi_reduction <add>, %reshape3A_57, %reduce_sum3A_58 [1] : vector<512x16x16xf32> to vector<512x16xf32>
    %swap3A = arith.constant 0 : index
    %swap3A_60 = arith.constant 0 : index
    %swap3A_61 = vector.load %arg9[%swap3A, %swap3A_60] : memref<512x16xf32, #tpu.memory_space<vmem>>, vector<512x16xf32>
    tpu.vector_store %arg9[%swap3A, %swap3A_60], %reduce_sum3A_59 {strides = array<i32>} : memref<512x16xf32, #tpu.memory_space<vmem>>, vector<512x16xf32>,
    %iota3A = tpu.iota {dimensions = array<i32: 1>} : vector<1x128xi32>
    %eq3A = arith.constant 0 : i32
    %eq3A_62 = vector.broadcast %eq3A : i32 to vector<1x128xi32>
    %eq3A_63 = arith.cmpi eq, %iota3A, %eq3A_62 : vector<1x128xi32>
    %reduce_sum3A_64 = vector.shape_cast %reduce_sum3A_59 : vector<512x16xf32> to vector<1x512x16xf32>
    %reduce_sum3A_65 = arith.constant dense<0.000000e+00> : vector<1xf32>
    %reduce_sum3A_66 = vector.multi_reduction <add>, %reduce_sum3A_64, %reduce_sum3A_65 [1, 2] : vector<1x512x16xf32> to vector<1xf32>
    %reduce_sum3A_67 = vector.shape_cast %reduce_sum3A_66 : vector<1xf32> to vector<1x1x1xf32>
    %reduce_sum3A_68 = vector.extract %reduce_sum3A_67[0, 0, 0] : f32 from vector<1x1x1xf32>
    %jit3A = arith.constant 0.000000e+00 : f32
    %broadcast_in_dim3A_69 = vector.broadcast %reduce_sum3A_68 : f32 to vector<1x128xf32>
    %broadcast_in_dim3A_70 = vector.broadcast %jit3A : f32 to vector<1x128xf32>
    %select_n3A_71 = arith.select %eq3A_63, %broadcast_in_dim3A_69, %broadcast_in_dim3A_70 : vector<1x128xi1>, vector<1x128xf32>
    %eq3A_72 = arith.constant 1 : i32
    %eq3A_73 = vector.broadcast %eq3A_72 : i32 to vector<1x128xi32>
    %eq3A_74 = arith.cmpi eq, %iota3A, %eq3A_73 : vector<1x128xi32>
    %mul3A_75 = arith.mulf %reduce_sum3A_59, %reduce_sum3A_59 : vector<512x16xf32>
    %reduce_sum3A_76 = vector.shape_cast %mul3A_75 : vector<512x16xf32> to vector<1x512x16xf32>
    %reduce_sum3A_77 = arith.constant dense<0.000000e+00> : vector<1xf32>
    %reduce_sum3A_78 = vector.multi_reduction <add>, %reduce_sum3A_76, %reduce_sum3A_77 [1, 2] : vector<1x512x16xf32> to vector<1xf32>
    %reduce_sum3A_79 = vector.shape_cast %reduce_sum3A_78 : vector<1xf32> to vector<1x1x1xf32>
    %reduce_sum3A_80 = vector.extract %reduce_sum3A_79[0, 0, 0] : f32 from vector<1x1x1xf32>
    %jit3A_81 = arith.constant 0.000000e+00 : f32
    %broadcast_in_dim3A_82 = vector.broadcast %reduce_sum3A_80 : f32 to vector<1x128xf32>
    %broadcast_in_dim3A_83 = vector.broadcast %jit3A_81 : f32 to vector<1x128xf32>
    %select_n3A_84 = arith.select %eq3A_74, %broadcast_in_dim3A_82, %broadcast_in_dim3A_83 : vector<1x128xi1>, vector<1x128xf32>
    %add3A_85 = arith.addf %select_n3A_71, %select_n3A_84 : vector<1x128xf32>
    %eq3A_86 = arith.constant 0 : i32
    %eq3A_87 = arith.cmpi eq, %arg0, %eq3A_86 : i32
    %convert_element_type3A = arith.extui %eq3A_87 : i1 to i32
    %cond3A = arith.constant 0 : i32
    %cond3A_88 = arith.cmpi ne, %convert_element_type3A, %cond3A : i32
    scf.if %cond3A_88 {
      %broadcast_in_dim3A_96 = arith.constant 0.000000e+00 : f32
      %broadcast_in_dim3A_97 = vector.broadcast %broadcast_in_dim3A_96 : f32 to vector<1x128xf32>
      %swap3A_98 = arith.constant 0 : index
      %swap3A_99 = arith.constant 0 : index
      %swap3A_100 = vector.load %arg10[%swap3A_98, %swap3A_99] : memref<1x128xf32, #tpu.memory_space<vmem>>, vector<1x128xf32>
      tpu.vector_store %arg10[%swap3A_98, %swap3A_99], %broadcast_in_dim3A_97 {strides = array<i32>} : memref<1x128xf32, #tpu.memory_space<vmem>>, vector<1x128xf32>,
    } else {
    }
    %get3A_89 = arith.constant 0 : index
    %get3A_90 = arith.constant 0 : index
    %get3A_91 = vector.load %arg10[%get3A_89, %get3A_90] : memref<1x128xf32, #tpu.memory_space<vmem>>, vector<1x128xf32>
    %add3A_92 = arith.addf %get3A_91, %add3A_85 : vector<1x128xf32>
    %swap3A_93 = arith.constant 0 : index
    %swap3A_94 = arith.constant 0 : index
    %swap3A_95 = vector.load %arg10[%swap3A_93, %swap3A_94] : memref<1x128xf32, #tpu.memory_space<vmem>>, vector<1x128xf32>
    tpu.vector_store %arg10[%swap3A_93, %swap3A_94], %add3A_92 {strides = array<i32>} : memref<1x128xf32, #tpu.memory_space<vmem>>, vector<1x128xf32>,
    return
  }
  func.func @transform_0(%arg0: i32) -> (i32, i32) {
    %c0_i32 = arith.constant 0 : i32
    %c0_i32_0 = arith.constant 0 : i32
    return %arg0, %c0_i32 : i32, i32
  }
  func.func @transform_1(%arg0: i32) -> (i32, i32) {
    %c0_i32 = arith.constant 0 : i32
    %c0_i32_0 = arith.constant 0 : i32
    return %arg0, %c0_i32 : i32, i32
  }
  func.func @transform_2(%arg0: i32) -> (i32, i32) {
    %c0_i32 = arith.constant 0 : i32
    %c0_i32_0 = arith.constant 0 : i32
    %c0_i32_1 = arith.constant 0 : i32
    return %c0_i32, %c0_i32_0 : i32, i32
  }
  func.func @transform_3(%arg0: i32) -> (i32, i32) {
    %c0_i32 = arith.constant 0 : i32
    %c0_i32_0 = arith.constant 0 : i32
    %c0_i32_1 = arith.constant 0 : i32
    return %c0_i32, %c0_i32_0 : i32, i32
  }
  func.func @transform_4(%arg0: i32) -> (i32, i32) {
    %c0_i32 = arith.constant 0 : i32
    %c0_i32_0 = arith.constant 0 : i32
    %c0_i32_1 = arith.constant 0 : i32
    return %c0_i32, %c0_i32_0 : i32, i32
  }
  func.func @transform_5(%arg0: i32) -> (i32, i32) {
    %c0_i32 = arith.constant 0 : i32
    %c0_i32_0 = arith.constant 0 : i32
    %c0_i32_1 = arith.constant 0 : i32
    return %c0_i32, %c0_i32_0 : i32, i32
  }
  func.func @transform_6(%arg0: i32) -> (i32, i32) {
    %c0_i32 = arith.constant 0 : i32
    %c0_i32_0 = arith.constant 0 : i32
    %c0_i32_1 = arith.constant 0 : i32
    return %c0_i32, %c0_i32_0 : i32, i32
  }
  func.func @transform_7(%arg0: i32) -> (i32, i32) {
    %c0_i32 = arith.constant 0 : i32
    %c0_i32_0 = arith.constant 0 : i32
    %c0_i32_1 = arith.constant 0 : i32
    return %c0_i32, %c0_i32_0 : i32, i32
  }
  func.func @transform_8(%arg0: i32) -> (i32, i32) {
    %c0_i32 = arith.constant 0 : i32
    %c0_i32_0 = arith.constant 0 : i32
    return %arg0, %c0_i32 : i32, i32
  }
  func.func @transform_9(%arg0: i32) -> (i32, i32) {
    %c0_i32 = arith.constant 0 : i32
    %c0_i32_0 = arith.constant 0 : i32
    %c0_i32_1 = arith.constant 0 : i32
    return %c0_i32, %c0_i32_0 : i32, i32
  }
}

module attributes {stable_mosaic.version = 14 : i64} {
  func.func @_p3_body(%arg0: memref<4096x16xf32, #tpu.memory_space<vmem>>, %arg1: memref<1x128xf32, #tpu.memory_space<vmem>>, %arg2: memref<16x16xf32, #tpu.memory_space<vmem>>, %arg3: memref<1x16xf32, #tpu.memory_space<vmem>>, %arg4: memref<1x1xf32, #tpu.memory_space<vmem>>, %arg5: memref<1x1xf32, #tpu.memory_space<vmem>>, %arg6: memref<4096x16xf32, #tpu.memory_space<vmem>>) attributes {dimension_semantics = [], scalar_prefetch = 0 : i64, scratch_operands = 0 : i64, tpu.core_type = #tpu.core_type<tc>} {
    %get3A = arith.constant 0 : index
    %get3A_0 = arith.constant 0 : index
    %get3A_1 = vector.load %arg1[%get3A, %get3A_0] : memref<1x128xf32, #tpu.memory_space<vmem>>, vector<1x1xf32>
    %get3A_2 = vector.extract %get3A_1[0, 0] : f32 from vector<1x1xf32>
    %mul3A = arith.constant 1.52587891E-5 : f32
    %mul3A_3 = arith.mulf %get3A_2, %mul3A : f32
    %get3A_4 = arith.constant 0 : index
    %get3A_5 = arith.constant 1 : index
    %get3A_6 = vector.load %arg1[%get3A_4, %get3A_5] : memref<1x128xf32, #tpu.memory_space<vmem>>, vector<1x1xf32>
    %get3A_7 = vector.extract %get3A_6[0, 0] : f32 from vector<1x1xf32>
    %mul3A_8 = arith.constant 1.52587891E-5 : f32
    %mul3A_9 = arith.mulf %get3A_7, %mul3A_8 : f32
    %mul3A_10 = arith.mulf %mul3A_3, %mul3A_3 : f32
    %sub3A = arith.subf %mul3A_9, %mul3A_10 : f32
    %get3A_11 = arith.constant 0 : index
    %get3A_12 = arith.constant 0 : index
    %get3A_13 = vector.load %arg0[%get3A_11, %get3A_12] : memref<4096x16xf32, #tpu.memory_space<vmem>>, vector<4096x16xf32>
    %sub3A_14 = vector.broadcast %mul3A_3 : f32 to vector<4096x16xf32>
    %sub3A_15 = arith.subf %get3A_13, %sub3A_14 : vector<4096x16xf32>
    %add3A = arith.constant 9.99999974E-6 : f32
    %add3A_16 = arith.addf %sub3A, %add3A : f32
    %sqrt3A = math.sqrt %add3A_16 : f32
    %div3A = vector.broadcast %sqrt3A : f32 to vector<4096x16xf32>
    %div3A_17 = arith.divf %sub3A_15, %div3A : vector<4096x16xf32>
    %get3A_18 = arith.constant 0 : index
    %get3A_19 = arith.constant 0 : index
    %get3A_20 = vector.load %arg4[%get3A_18, %get3A_19] : memref<1x1xf32, #tpu.memory_space<vmem>>, vector<1x1xf32>
    %get3A_21 = vector.extract %get3A_20[0, 0] : f32 from vector<1x1xf32>
    %mul3A_22 = vector.broadcast %get3A_21 : f32 to vector<4096x16xf32>
    %mul3A_23 = arith.mulf %div3A_17, %mul3A_22 : vector<4096x16xf32>
    %get3A_24 = arith.constant 0 : index
    %get3A_25 = arith.constant 0 : index
    %get3A_26 = vector.load %arg5[%get3A_24, %get3A_25] : memref<1x1xf32, #tpu.memory_space<vmem>>, vector<1x1xf32>
    %get3A_27 = vector.extract %get3A_26[0, 0] : f32 from vector<1x1xf32>
    %add3A_28 = vector.broadcast %get3A_27 : f32 to vector<4096x16xf32>
    %add3A_29 = arith.addf %mul3A_23, %add3A_28 : vector<4096x16xf32>
    %ge3A = arith.constant 0.000000e+00 : f32
    %ge3A_30 = vector.broadcast %ge3A : f32 to vector<4096x16xf32>
    %ge3A_31 = arith.cmpf oge, %add3A_29, %ge3A_30 : vector<4096x16xf32>
    %mul3A_32 = arith.constant 1.000000e-01 : f32
    %mul3A_33 = vector.broadcast %mul3A_32 : f32 to vector<4096x16xf32>
    %mul3A_34 = arith.mulf %mul3A_33, %add3A_29 : vector<4096x16xf32>
    %select_n3A = arith.select %ge3A_31, %add3A_29, %mul3A_34 : vector<4096x16xi1>, vector<4096x16xf32>
    %get3A_35 = arith.constant 0 : index
    %get3A_36 = arith.constant 0 : index
    %get3A_37 = vector.load %arg2[%get3A_35, %get3A_36] : memref<16x16xf32, #tpu.memory_space<vmem>>, vector<16x16xf32>
    %dot_general3A = arith.constant dense<0.000000e+00> : vector<4096x16xf32>
    %dot_general3A_38 = tpu.matmul %select_n3A, %get3A_37, %dot_general3A {dimension_numbers = #tpu.dot_dimension_numbers<[1], [0], [0], [1], [0, 0, 1, 1], [], []>, transpose_lhs_hint = false} : vector<4096x16xf32>, vector<16x16xf32>, vector<4096x16xf32> -> vector<4096x16xf32>
    %get3A_39 = arith.constant 0 : index
    %get3A_40 = arith.constant 0 : index
    %get3A_41 = vector.load %arg3[%get3A_39, %get3A_40] : memref<1x16xf32, #tpu.memory_space<vmem>>, vector<1x16xf32>
    %add3A_42 = vector.broadcast %get3A_41 : vector<1x16xf32> to vector<4096x16xf32>
    %add3A_43 = arith.addf %dot_general3A_38, %add3A_42 : vector<4096x16xf32>
    %ge3A_44 = arith.constant 0.000000e+00 : f32
    %ge3A_45 = vector.broadcast %ge3A_44 : f32 to vector<4096x16xf32>
    %ge3A_46 = arith.cmpf oge, %add3A_43, %ge3A_45 : vector<4096x16xf32>
    %mul3A_47 = arith.constant 1.000000e-01 : f32
    %mul3A_48 = vector.broadcast %mul3A_47 : f32 to vector<4096x16xf32>
    %mul3A_49 = arith.mulf %mul3A_48, %add3A_43 : vector<4096x16xf32>
    %select_n3A_50 = arith.select %ge3A_46, %add3A_43, %mul3A_49 : vector<4096x16xi1>, vector<4096x16xf32>
    %swap3A = arith.constant 0 : index
    %swap3A_51 = arith.constant 0 : index
    %swap3A_52 = vector.load %arg6[%swap3A, %swap3A_51] : memref<4096x16xf32, #tpu.memory_space<vmem>>, vector<4096x16xf32>
    tpu.vector_store %arg6[%swap3A, %swap3A_51], %select_n3A_50 {strides = array<i32>} : memref<4096x16xf32, #tpu.memory_space<vmem>>, vector<4096x16xf32>,
    return
  }
}

</mosaic_0001>

<sc_bundles>
// kernel: kernel.8.cloned.1.call-start
scs
__scs_entry_jumppad:
0x0: {  	(pc) =	sbr.rel $0x88, $3  }
0x1: {  	(tag) =	ssettag $0x0;
	lr =	simm.s32 $0x1  }
0x2: {  	[smem:$0x3F97] =	sst lr;
	_ =	strace $0xD0000000  }
0x3: {  	_ = 	snop  }
0x4: {  	_ = 	snop  }
0x5: {  	_ = 	snop  }
0x6: {  	_ = 	snop  }
0x7: {  	_ = 	snop  }
__scs_overlays_trampoline_lowered:
0x8: {  	[smem:$0x3FA6] =	sst s0  }
0x9: {  	[smem:$0x3FA7] =	sst s1  }
0xa: {  	[smem:$0x3FA8] =	sst s2  }
0xb: {  	[smem:$0x3FA9] =	sst s3  }
0xc: {  	[smem:$0x3FAA] =	sst s4  }
0xd: {  	[smem:$0x3FAB] =	sst s5  }
0xe: {  	[smem:$0x3FAC] =	sst s6  }
0xf: {  	[smem:$0x3FAD] =	sst s7  }
0x10: {  	[smem:$0x3FAE] =	sst s8  }
0x11: {  	[smem:$0x3FAF] =	sst s9;
	s0 =	simm.s32 @!p0 $0x0  }
0x12: {  	s1 =	sld [smem:$0x3F95];
	s0 =	simm.s32 @p0 $0x1  }
0x13: {  	[smem:$0x3FB0] =	sst s0;
	s0 =	simm.s32 @!p1 $0x0  }
0x14: {  	s2 =	sld [smem:$0x3F94];
	s0 =	simm.s32 @p1 $0x1  }
0x15: {  	[smem:$0x3FB1] =	sst s0;
	s0 =	simm.s32 @!p2 $0x0  }
0x16: {  	s3 =	sld [smem:$0x3FDB];
	s0 =	simm.s32 @p2 $0x1  }
0x17: {  	s4 =	simm.s32 $0x1BF5;
	[smem:$0x3FB3] =	sst s0  }
0x18: {  	s0 =	sld [smem:$0x3F96];
	_ =	swait.ge [sflag:s4], $0x0  }
0x19: {  	s7 =	sld [smem:$0x3F97]  }
0x1a: {  	s8 =	sadd.s32 $0xFFFFE003, lr  }
0x1b: {  	s9 =	sadd.s32 $0xFFFFFEF7, lr;
	s5 =	simm.s32 $0xFFFFFFFF;
	p2 =	slt.u32 s8, $0xFFFFF086  }
0x1c: {  	p1 =	slt.u32 s9, $0xF7A;
	s5 =	simm.s32 @!p2 $0x0  }
0x1d: {  	s5 =	simm.s32 @p1 $0x1;
	p0 =	seq.s32 s7, s2  }
0x1e: {  	s7 =	smul.u32 @!p0 $0xF7A, s2;
	p2 =	seq.s32 @!p0 s5, $0x0  }
0x1f: {  	s9 =	smul.u32 $0xF7A, s1;
	s8 =	simm.s32 @!p0 $0x1BF5;
	p2 =	por !p2, p0  }
0x20: {  	[sflag:s8] =	ssyncset.s32 @!p0 $0xFFFFF086;
	s6 =	sadd.s32 @!p0 s3, s7;
	s7 =	simm.s32 @!p0 $0x108  }
0x21: {  	s3 =	sadd.s32 s3, s9;
	s6 =	sadd.s32 @!p0 $0x88, s6;
	s7 =	simm.s32 @p2 $0x1082  }
0x22: {  	[simem:s7], [sflag:s8] =	dma.local @!p0 [hbm:s6], $0xF7A  }
0x23: {  	s9 =	sor.u32 $0xD0000000, s2;
	s6 =	simm.s32 $0x108;
	_ =	swait.ge @!p0 [sflag:s8], $0x0  }
0x24: {  	s3 =	sadd.s32 $0x88, s3;
	s6 =	simm.s32 @!p1 $0x1082;
	[sflag:s4] =	ssyncset.s32 $0xFFFFF086  }
0x25: {  	[simem:s6], [sflag:s4] =	dma.local [hbm:s3], $0xF7A  }
0x26: {  	[smem:$0x3F97] =	sst s1;
	(tag) =	ssettag s2;
	_ =	strace s9  }
0x27: {  	s1 =	sld [smem:$0x3FA7]  }
0x28: {  	s2 =	sld [smem:$0x3FA8]  }
0x29: {  	s4 =	sld [smem:$0x3FAA]  }
0x2a: {  	p0 =	seq.s32 s5, $0x0;
	s5 =	sld [smem:$0x3FAB]  }
0x2b: {  	s6 =	sld [smem:$0x3FAC]  }
0x2c: {  	s7 =	sld [smem:$0x3FAD]  }
0x2d: {  	s3 =	simm.s32 $0x108;
	s8 =	sld [smem:$0x3FAE]  }
0x2e: {  	s3 =	simm.s32 @!p0 $0x1082;
	s9 =	sld [smem:$0x3FAF]  }
0x2f: {  	lr =	sadd.s32 s0, s3;
	s0 =	sld [smem:$0x3FA6]  }
0x30: {  	s3 =	sld [smem:$0x3FA9]  }
0x31: {  	[smem:$0x3FB2] =	sst s10  }
0x32: {  	s10 =	sld [smem:$0x3FB0];
	_ =	sdelay $0x3  }
0x33: {  	p0 =	seq.s32 s10, $0x1;
	s10 =	sld [smem:$0x3FB2];
	_ =	sdelay $0x3  }
0x34: {  	[smem:$0x3FB2] =	sst s10  }
0x35: {  	s10 =	sld [smem:$0x3FB1];
	_ =	sdelay $0x3  }
0x36: {  	p1 =	seq.s32 s10, $0x1;
	s10 =	sld [smem:$0x3FB2];
	_ =	sdelay $0x3  }
0x37: {  	[smem:$0x3FB2] =	sst s10  }
0x38: {  	s10 =	sld [smem:$0x3FB3]  }
0x39: {  	_ = 	snop;
	(pc) =	sbr.ind lr, $3  }
0x3a: {  	_ = 	snop  }
0x3b: {  	_ = 	snop  }
0x3c: {  	p2 =	seq.s32 s10, $0x1;
	s10 =	sld [smem:$0x3FB2]  }
0x3d: {  	_ =	shalt  }
0x3e: {  	_ =	shalt  }
0x3f: {  	_ =	shalt  }
0x40: {  	_ =	shalt  }
0x41: {  	_ =	shalt  }
0x42: {  	_ =	shalt  }
0x43: {  	_ =	shalt  }
0x44: {  	_ =	shalt  }
0x45: {  	_ =	shalt  }
0x46: {  	_ =	shalt  }
0x47: {  	_ =	shalt  }
0x48: {  	_ =	shalt  }
0x49: {  	_ =	shalt  }
0x4a: {  	_ =	shalt  }
0x4b: {  	_ =	shalt  }
0x4c: {  	_ =	shalt  }
0x4d: {  	_ =	shalt  }
0x4e: {  	_ =	shalt  }
0x4f: {  	_ =	shalt  }
0x50: {  	_ =	shalt  }
0x51: {  	_ =	shalt  }
0x52: {  	_ =	shalt  }
0x53: {  	_ =	shalt  }
0x54: {  	_ =	shalt  }
0x55: {  	_ =	shalt  }
0x56: {  	_ =	shalt  }
0x57: {  	_ =	shalt  }
0x58: {  	_ =	shalt  }
0x59: {  	_ =	shalt  }
0x5a: {  	_ =	shalt  }
0x5b: {  	_ =	shalt  }
0x5c: {  	_ =	shalt  }
0x5d: {  	_ =	shalt  }
0x5e: {  	_ =	shalt  }
0x5f: {  	_ =	shalt  }
0x60: {  	_ =	shalt  }
0x61: {  	_ =	shalt  }
0x62: {  	_ =	shalt  }
0x63: {  	_ =	shalt  }
0x64: {  	_ =	shalt  }
0x65: {  	_ =	shalt  }
0x66: {  	_ =	shalt  }
0x67: {  	_ =	shalt  }
0x68: {  	_ =	shalt  }
0x69: {  	_ =	shalt  }
0x6a: {  	_ =	shalt  }
0x6b: {  	_ =	shalt  }
0x6c: {  	_ =	shalt  }
0x6d: {  	_ =	shalt  }
0x6e: {  	_ =	shalt  }
0x6f: {  	_ =	shalt  }
0x70: {  	_ =	shalt  }
0x71: {  	_ =	shalt  }
0x72: {  	_ =	shalt  }
0x73: {  	_ =	shalt  }
0x74: {  	_ =	shalt  }
0x75: {  	_ =	shalt  }
0x76: {  	_ =	shalt  }
0x77: {  	_ =	shalt  }
0x78: {  	_ =	shalt  }
0x79: {  	_ =	shalt  }
0x7a: {  	_ =	shalt  }
0x7b: {  	_ =	shalt  }
0x7c: {  	_ =	shalt  }
0x7d: {  	_ =	shalt  }
0x7e: {  	_ =	shalt  }
0x7f: {  	_ =	shalt  }
0x80: {  	_ =	shalt  }
0x81: {  	_ =	shalt  }
0x82: {  	_ =	shalt  }
0x83: {  	_ =	shalt  }
0x84: {  	_ =	shalt  }
0x85: {  	_ =	shalt  }
0x86: {  	_ =	shalt  }
0x87: {  	_ =	shalt  }
.Lfunc_end0:
.L_simem_size_0:
called_computation_lowered:
.L_overlay_start_0:
0x88: {  	s2 =	sld [smem:$0x3FD9]  }
0x89: {  	s3 =	sld [smem:$0x3FFE];
	_ =	sdelay $0x1  }
0x8a: {  	s1 =	srdreg.scid  }
0x8b: {  	s0 =	sand.u32 $0x1, s1  }
0x8c: {  	s14 =	sshll.u32 s0, $0xA;
	s2 =	sadd.s32 s3, s2  }
0x8d: {  	s2 =	sadd.s32 s2, s14  }
0x8e: {  	[smem:$0x3FBE] =	sst s2  }
0x8f: {  	_ = 	snop  }
0x90: {  	s2 =	sld [smem:$0x3FD0];
	_ =	sdelay $0x2  }
0x91: {  	s15 =	simm.s32 $0xA;
	s4 =	simm.s32 $0x10  }
0x92: {  	[smem:s4], [sflag:s15] =	dma.local [hbm:s2], $0x1  }
0x93: {  	_ =	swait.eq [sflag:s15], $0x1  }
0x94: {  	[sflag:s15] =	ssyncset.done $0x0  }
0x95: {  	[sflag:s15] =	ssyncadd.s32 $0xFFFFFFFF  }
0x96: {  	s16 =	sld [smem:$0x11];
	(tm) =	ssettm $0x1  }
0x97: {  	s17 =	sld [smem:$0x3FFB];
	_ =	sdelay $0x3  }
0x98: {  	_ =	strace s17  }
0x99: {  	s3 =	sld [smem:$0x3FFC];
	_ =	sdelay $0x3  }
0x9a: {  	_ =	strace s3  }
0x9b: {  	s3 =	sld [smem:$0x3FFD];
	_ =	sdelay $0x3  }
0x9c: {  	_ =	strace s3  }
0x9d: {  	_ =	strace $0x8FFFFFFF  }
0x9e: {  	s18 =	sld [smem:$0x3FDB];
	_ =	sdelay $0x1  }
0x9f: {  	s19 =	simm.s32 $_scs_section_size  }
0xa0: {  	s5 =	simm.s32 $_size__tile_overlayer_lowered;
	s6 =	simm.s32 $_tile_overlayer_lowered  }
0xa1: {  	s22 =	simm.s32 $0x1BFF;
	s21 =	sshll.u32 s6, $0x1;
	s3 =	sadd.s32 s19, s18  }
0xa2: {  	s7 =	simm.s32 $0x0;
	s20 =	sshll.u32 s5, $0x1;
	s5 =	sadd.s32 s21, s3  }
0xa3: {  	[timem:s7], [sflag:s22] =	dma.local [hbm:s5], s20  }
0xa4: {  	_ =	swait.ge [sflag:s22], s20  }
0xa5: {  	s4 =	ssub.s32 $0x0, s20;
	[sflag:s22] =	ssyncset.done $0x0  }
0xa6: {  	[sflag:s22] =	ssyncadd.s32 s4;
	_ =	sdelay $0x1  }
0xa7: {  	s23 =	simm.s32 $0x1B8B  }
0xa8: {  	_ =	swait.ge [sflag:s23], $0x1  }
0xa9: {  	[sflag:s23] =	ssyncset.done $0x0  }
0xaa: {  	s25 =	simm.s32 $0x1B8E;
	s24 =	sld [smem:$0x3FFE];
	[sflag:s23] =	ssyncadd.s32 $0xFFFFFFFF  }
0xab: {  	s26 =	simm.s32 $execute0_lowered;
	[smem:$0x3FD2] =	sst s25  }
0xac: {  	s5 =	sshll.u32 s26, $0x1;
	_ =	strace $0x80000046;
	[dreg:$0x1] =	wrdreg $0xFFFFFFFF  }
0xad: {  	s28 =	simm.s32 $_size_execute0_lowered;
	s3 =	sadd.s32 s3, s5;
	[dreg:$0x0] =	wrdreg $0x0  }
0xae: {  	s5 =	sshll.u32 s28, $0x1;
	[dreg:$0x2] =	wrdreg s3  }
0xaf: {  	[dreg:$0x3] =	wrdreg s5  }
0xb0: {  	[dreg:$0x4] =	wrdreg $0xC0  }
0xb1: {  	_ =	task [dreg:s7], $0x5FFFF  }
0xb2: {  	[dreg:$0x1] =	wrdreg $0xFFFFFFFF  }
0xb3: {  	[dreg:$0x0] =	wrdreg $0x60  }
0xb4: {  	[dreg:$0x2] =	wrdreg s24  }
0xb5: {  	[dreg:$0x3] =	wrdreg s16  }
0xb6: {  	[dreg:$0x4] =	wrdreg $0x9  }
0xb7: {  	_ =	task.clear_ibuf [dreg:s7], $0x5FFFF;
	_ =	strace $0x90000046  }
0xb8: {  	s29 =	simm.s32 $0x9;
	_ =	strace $0x80000048  }
0xb9: {  	_ =	swait.ge [sflag:s29], $0x1  }
0xba: {  	[sflag:s29] =	ssyncadd.s32 $0xFFFFFFFF  }
0xbb: {  	_ =	strace $0x90000048  }
0xbc: {  	_ =	sfence  }
0xbd: {  	s30 =	sld [smem:$0x0];
	_ =	sdelay $0x2  }
0xbe: {  	s31 =	sshll.u32 s1, $0xD;
	s1 =	sshrl.u32 s1, $0x2  }
0xbf: {  	s3 =	sand.u32 $0x4000, s31;
	s1 =	sadd.s32 s1, s30  }
0xc0: {  	s0 =	sor.u32 s3, s0;
	s1 =	sshll.u32 s1, $0x11  }
0xc1: {  	s0 =	sor.u32 s1, s0  }
0xc2: {  	s0 =	sadd.s32 $0x8F2B, s0  }
0xc3: {  	[sflag:s0] =	ssyncadd.remote.s32 $0x1  }
0xc4: {  	_ =	sfence.sel $0xFFFF  }
0xc5: {  	[dreg:$0x0] =	wrdreg $0xFFFFFFFF;
	(pc) =	sbr.abs _section_cstart, $3  }
0xc6: {  	[dreg:$0x1] =	wrdreg $0xFFFFFFFF  }
0xc7: {  	_ =	task.clear_ibuf [dreg:s7], $0x2FFFF;
	_ =	strace $0x9FFFFFFF  }
0xc8: {  	(tm) =	ssettm $0x7FFFFFFF  }
0xc9: {  	_ =	shalt  }
tec
execute0_lowered:
.L_overlay_start_1:
0x0: {  	(tag) =	ssettag $0x1  }
0x1: {  	s1 =	rddreg [dreg:$0x0];
	s2 =	srdreg.scid  }
0x2: {  	s0 =	stileid.u32;
	s3 =	rddreg [dreg:$0x1];
	s7 =	simm.s32 $0x100  }
0x3: {  	s8 =	simm.s32 $0x1800;
	s9 =	simm.s32 $0x180;
	s25 =	simm.s32 $0x2000  }
0x4: {  	s26 =	simm.s32 $0x200;
	s11 =	simm.s32 $0x300;
	s12 =	simm.s32 $0x3800  }
0x5: {  	s13 =	simm.s32 $0x380;
	s14 =	simm.s32 $0x4000;
	s15 =	simm.s32 $0x400  }
0x6: {  	s16 =	simm.s32 $0x4800;
	s17 =	simm.s32 $0x480;
	s18 =	simm.s32 $0x5000  }
0x7: {  	s19 =	simm.s32 $0x500;
	s20 =	simm.s32 $0x5800;
	s21 =	simm.s32 $0x580  }
0x8: {  	s22 =	simm.s32 $0x6000;
	s23 =	simm.s32 $0x600;
	s24 =	simm.s32 $0x6800  }
0x9: {  	s4 =	sand.u32 $0x1, s2;
	s5 =	sshll.u32 s0, $0x1;
	s2 =	simm.s32 $0x0  }
0xa: {  	p0 =	por $0x0, $0x0;
	s5 =	sor.u32 s4, s5;
	[smem:$0x7FF] =	sst s2  }
0xb: {  	s6 =	sshll.u32 s5, $0xC;
	s5 =	sshll.u32 s5, $0x8;
	_ =	strace $0x80000047  }
0xc: {  	[dreg:$0x6] =	wrdreg s7;
	s3 =	sadd.s32 s3, s5;
	s5 =	ssub.s32 $0x2, s4  }
0xd: {  	[dreg:$0x3] =	wrdreg s3;
	s3 =	simm.s32 $0x1000;
	s4 =	sshrl.u32 s5, $0x1  }
0xe: {  	s28 =	simm.s32 $0x700;
	[dreg:$0x5] =	wrdreg s3;
	s3 =	ssub.s32 s5, s4  }
0xf: {  	s29 =	simm.s32 $0x7800;
	[dreg:$0x7] =	wrdreg s8;
	s10 =	smax.u32 s3, $0x1  }
0x10: {  	s30 =	simm.s32 $0x780;
	[dreg:$0x8] =	wrdreg s9;
	p1 =	sne.s32 s10, $0x1  }
.Ltmp0:
0x11: {  	s31 =	simm.s32 $0x8000;
	[dreg:$0x9] =	wrdreg s25;
	(pc) =	sbr.rel @!p1 .LBB2_3-.Ltmp0, $4  }
0x12: {  	s7 =	simm.s32 $0x80;
	[dreg:$0xa] =	wrdreg s26;
	s6 =	sadd.s32 s6, s1  }
0x13: {  	s25 =	simm.s32 $0x680;
	s26 =	simm.s32 $0x7000;
	s0 =	sadd.s32 $0x9600, s6  }
0x14: {  	s6 =	sadd.s32 $0x1600, s1;
	[dreg:$0x4] =	wrdreg s0;
	s4 =	simm.s32 $0x800  }
0x15: {  	s5 =	simm.s32 $0x1;
	s3 =	simm.s32 $0x2;
	s8 =	sadd.s32 $0xFFFFFFFF, s10  }
0x16: {  	s0 =	rddreg [dreg:$0x3]  }
0x17: {  	[tilespmem:s2], [sflag:$0x2] =	stream.linear.gather [hbm4b:s0+s2], $0x800, $0x38;
	[tilespmem:$0x8800] =	vst v63  }
0x18: {  	_ =	swait.ge [sflag:s3], $0x800  }
0x19: {  	s10 =	rddreg [dreg:$0x6]  }
0x1a: {  	s1 =	rddreg [dreg:$0x5]  }
0x1b: {  	s0 =	rddreg [dreg:$0x7]  }
0x1c: {  	[sflag:s3] =	ssyncset.done $0x0;
	[dreg:$0xb] =	wrdreg s10  }
0x1d: {  	[sflag:s3] =	ssyncadd.s32 $0xFFFFF800;
	s10 =	rddreg [dreg:$0x9]  }
0x1e: {  	[tilespmem:s4], [sflag:$0x1] =	stream.indirect.gather [hbm4b:s6+s7], $0x10, s2, s7, $0xb8;
	[tilespmem:$0x8800] =	vst v63  }
0x1f: {  	[dreg:$0xc] =	wrdreg s10  }
0x20: {  	s10 =	rddreg [dreg:$0xb]  }
0x21: {  	[tilespmem:s1], [sflag:$0x1] =	stream.indirect.gather [hbm4b:s6+s7], $0x10, s7, s7, $0xb8;
	[tilespmem:$0x8800] =	vst v63  }
0x22: {  	s1 =	rddreg [dreg:$0x8]  }
0x23: {  	[tilespmem:s0], [sflag:$0x1] =	stream.indirect.gather [hbm4b:s6+s7], $0x10, s10, s7, $0xb8;
	[tilespmem:$0x8800] =	vst v63  }
0x24: {  	s10 =	rddreg [dreg:$0xc]  }
0x25: {  	[tilespmem:s10], [sflag:$0x1] =	stream.indirect.gather [hbm4b:s6+s7], $0x10, s1, s7, $0xb8;
	[tilespmem:$0x8800] =	vst v63  }
0x26: {  	s9 =	simm.s32 $0x2800;
	s0 =	rddreg [dreg:$0xa]  }
0x27: {  	[tilespmem:s9], [sflag:$0x1] =	stream.indirect.gather [hbm4b:s6+s7], $0x10, s0, s7, $0xb8;
	[tilespmem:$0x8800] =	vst v63  }
0x28: {  	s1 =	simm.s32 $0x280;
	s9 =	simm.s32 $0x3000  }
0x29: {  	[tilespmem:s9], [sflag:$0x1] =	stream.indirect.gather [hbm4b:s6+s7], $0x10, s1, s7, $0xb8;
	[tilespmem:$0x8800] =	vst v63  }
0x2a: {  	_ = 	snop  }
0x2b: {  	[tilespmem:s12], [sflag:$0x1] =	stream.indirect.gather [hbm4b:s6+s7], $0x10, s11, s7, $0xb8;
	[tilespmem:$0x8800] =	vst v63  }
0x2c: {  	_ = 	snop  }
0x2d: {  	[tilespmem:s14], [sflag:$0x1] =	stream.indirect.gather [hbm4b:s6+s7], $0x10, s13, s7, $0xb8;
	[tilespmem:$0x8800] =	vst v63  }
0x2e: {  	_ = 	snop  }
0x2f: {  	[tilespmem:s16], [sflag:$0x1] =	stream.indirect.gather [hbm4b:s6+s7], $0x10, s15, s7, $0xb8;
	[tilespmem:$0x8800] =	vst v63  }
0x30: {  	_ = 	snop  }
0x31: {  	[tilespmem:s18], [sflag:$0x1] =	stream.indirect.gather [hbm4b:s6+s7], $0x10, s17, s7, $0xb8;
	[tilespmem:$0x8800] =	vst v63  }
0x32: {  	_ = 	snop  }
0x33: {  	[tilespmem:s20], [sflag:$0x1] =	stream.indirect.gather [hbm4b:s6+s7], $0x10, s19, s7, $0xb8;
	[tilespmem:$0x8800] =	vst v63  }
0x34: {  	_ = 	snop  }
0x35: {  	[tilespmem:s22], [sflag:$0x1] =	stream.indirect.gather [hbm4b:s6+s7], $0x10, s21, s7, $0xb8;
	[tilespmem:$0x8800] =	vst v63  }
0x36: {  	_ = 	snop  }
0x37: {  	[tilespmem:s24], [sflag:$0x1] =	stream.indirect.gather [hbm4b:s6+s7], $0x10, s23, s7, $0xb8;
	[tilespmem:$0x8800] =	vst v63  }
0x38: {  	_ = 	snop  }
0x39: {  	[tilespmem:s26], [sflag:$0x1] =	stream.indirect.gather [hbm4b:s6+s7], $0x10, s25, s7, $0xb8;
	[tilespmem:$0x8800] =	vst v63  }
0x3a: {  	_ = 	snop  }
0x3b: {  	[tilespmem:s29], [sflag:$0x1] =	stream.indirect.gather [hbm4b:s6+s7], $0x10, s28, s7, $0xb8;
	[tilespmem:$0x8800] =	vst v63  }
0x3c: {  	_ = 	snop  }
0x3d: {  	[tilespmem:s31], [sflag:$0x1] =	stream.indirect.gather [hbm4b:s6+s7], $0x10, s30, s7, $0xb8;
	[tilespmem:$0x8800] =	vst v63  }
0x3e: {  	_ =	swait.ge [sflag:s5], $0x800  }
0x3f: {  	[sflag:s5] =	ssyncset.done $0x0  }
0x40: {  	[sflag:s5] =	ssyncadd.s32 $0xFFFFF800  }
0x41: {  	_ =	swait.ge [sflag:s5], $0x800  }
0x42: {  	[sflag:s5] =	ssyncset.done $0x0  }
0x43: {  	[sflag:s5] =	ssyncadd.s32 $0xFFFFF800  }
0x44: {  	_ =	swait.ge [sflag:s5], $0x800  }
0x45: {  	[sflag:s5] =	ssyncset.done $0x0  }
0x46: {  	[sflag:s5] =	ssyncadd.s32 $0xFFFFF800  }
0x47: {  	_ =	swait.ge [sflag:s5], $0x800  }
0x48: {  	[sflag:s5] =	ssyncset.done $0x0  }
0x49: {  	[sflag:s5] =	ssyncadd.s32 $0xFFFFF800  }
0x4a: {  	_ =	swait.ge [sflag:s5], $0x800  }
0x4b: {  	[sflag:s5] =	ssyncset.done $0x0  }
0x4c: {  	[sflag:s5] =	ssyncadd.s32 $0xFFFFF800  }
0x4d: {  	_ =	swait.ge [sflag:s5], $0x800  }
0x4e: {  	[sflag:s5] =	ssyncset.done $0x0  }
0x4f: {  	[sflag:s5] =	ssyncadd.s32 $0xFFFFF800  }
0x50: {  	_ =	swait.ge [sflag:s5], $0x800  }
0x51: {  	[sflag:s5] =	ssyncset.done $0x0  }
0x52: {  	[sflag:s5] =	ssyncadd.s32 $0xFFFFF800  }
0x53: {  	_ =	swait.ge [sflag:s5], $0x800  }
0x54: {  	[sflag:s5] =	ssyncset.done $0x0  }
0x55: {  	[sflag:s5] =	ssyncadd.s32 $0xFFFFF800  }
0x56: {  	_ =	swait.ge [sflag:s5], $0x800  }
0x57: {  	[sflag:s5] =	ssyncset.done $0x0  }
0x58: {  	[sflag:s5] =	ssyncadd.s32 $0xFFFFF800  }
0x59: {  	_ =	swait.ge [sflag:s5], $0x800  }
0x5a: {  	[sflag:s5] =	ssyncset.done $0x0  }
0x5b: {  	[sflag:s5] =	ssyncadd.s32 $0xFFFFF800  }
0x5c: {  	_ =	swait.ge [sflag:s5], $0x800  }
0x5d: {  	[sflag:s5] =	ssyncset.done $0x0  }
0x5e: {  	[sflag:s5] =	ssyncadd.s32 $0xFFFFF800  }
0x5f: {  	_ =	swait.ge [sflag:s5], $0x800  }
0x60: {  	[sflag:s5] =	ssyncset.done $0x0  }
0x61: {  	[sflag:s5] =	ssyncadd.s32 $0xFFFFF800  }
0x62: {  	_ =	swait.ge [sflag:s5], $0x800  }
0x63: {  	[sflag:s5] =	ssyncset.done $0x0  }
0x64: {  	[sflag:s5] =	ssyncadd.s32 $0xFFFFF800  }
0x65: {  	_ =	swait.ge [sflag:s5], $0x800  }
0x66: {  	[sflag:s5] =	ssyncset.done $0x0  }
0x67: {  	[sflag:s5] =	ssyncadd.s32 $0xFFFFF800  }
0x68: {  	_ =	swait.ge [sflag:s5], $0x800  }
0x69: {  	p1 =	sne.s32 s8, $0x1;
	[sflag:s5] =	ssyncset.done $0x0  }
.Ltmp1:
0x6a: {  	[sflag:s5] =	ssyncadd.s32 $0xFFFFF800;
	(pc) =	sbr.rel @!p1 .LBB2_3-.Ltmp1, $4  }
0x6b: {  	_ =	swait.ge [sflag:s5], $0x800  }
0x6c: {  	p0 =	por $0x1, $0x1;
	[sflag:s5] =	ssyncset.done $0x0  }
0x6d: {  	s1 =	sadd.s32 $0xFFFFFFFF, s8;
	s10 =	rddreg [dreg:$0x4];
	[sflag:s5] =	ssyncadd.s32 $0xFFFFF800  }
0x6e: {  	[hbm4b:s10+s2] =	stream.linear.scatter [tilespmem:s4], [sflag:$0x2], $0x8000, $0x38;
	[tilespmem:$0x8800] =	vst v63  }
.LBB2_2:
0x6f: {  	_ =	swait.ge [sflag:s3], $0x8000  }
0x70: {  	[sflag:s3] =	ssyncset.done $0x0  }
0x71: {  	s0 =	rddreg [dreg:$0x3];
	[sflag:s3] =	ssyncadd.s32 $0xFFFF8000  }
0x72: {  	[tilespmem:s2], [sflag:$0x2] =	stream.linear.gather [hbm4b:s0+s2], $0x800, $0x38;
	[tilespmem:$0x8800] =	vst v63  }
0x73: {  	_ =	swait.ge [sflag:s3], $0x800  }
0x74: {  	s0 =	rddreg [dreg:$0x6];
	[sflag:s3] =	ssyncset.done $0x0  }
0x75: {  	s8 =	rddreg [dreg:$0x5];
	[sflag:s3] =	ssyncadd.s32 $0xFFFFF800  }
0x76: {  	[tilespmem:s4], [sflag:$0x1] =	stream.indirect.gather [hbm4b:s6+s7], $0x10, s2, s7, $0xb8;
	[tilespmem:$0x8800] =	vst v63  }
0x77: {  	s9 =	rddreg [dreg:$0x7]  }
0x78: {  	[tilespmem:s8], [sflag:$0x1] =	stream.indirect.gather [hbm4b:s6+s7], $0x10, s7, s7, $0xb8;
	[tilespmem:$0x8800] =	vst v63  }
0x79: {  	s10 =	rddreg [dreg:$0x9]  }
0x7a: {  	[tilespmem:s9], [sflag:$0x1] =	stream.indirect.gather [hbm4b:s6+s7], $0x10, s0, s7, $0xb8;
	[tilespmem:$0x8800] =	vst v63  }
0x7b: {  	s8 =	rddreg [dreg:$0x8]  }
0x7c: {  	[tilespmem:s10], [sflag:$0x1] =	stream.indirect.gather [hbm4b:s6+s7], $0x10, s8, s7, $0xb8;
	[tilespmem:$0x8800] =	vst v63  }
0x7d: {  	s0 =	rddreg [dreg:$0xa];
	s8 =	simm.s32 $0x2800  }
0x7e: {  	[tilespmem:s8], [sflag:$0x1] =	stream.indirect.gather [hbm4b:s6+s7], $0x10, s0, s7, $0xb8;
	[tilespmem:$0x8800] =	vst v63  }
0x7f: {  	s9 =	simm.s32 $0x280;
	s10 =	simm.s32 $0x3000  }
0x80: {  	[tilespmem:s10], [sflag:$0x1] =	stream.indirect.gather [hbm4b:s6+s7], $0x10, s9, s7, $0xb8;
	[tilespmem:$0x8800] =	vst v63  }
0x81: {  	_ = 	snop  }
0x82: {  	[tilespmem:s12], [sflag:$0x1] =	stream.indirect.gather [hbm4b:s6+s7], $0x10, s11, s7, $0xb8;
	[tilespmem:$0x8800] =	vst v63  }
0x83: {  	_ = 	snop  }
0x84: {  	[tilespmem:s14], [sflag:$0x1] =	stream.indirect.gather [hbm4b:s6+s7], $0x10, s13, s7, $0xb8;
	[tilespmem:$0x8800] =	vst v63  }
0x85: {  	_ = 	snop  }
0x86: {  	[tilespmem:s16], [sflag:$0x1] =	stream.indirect.gather [hbm4b:s6+s7], $0x10, s15, s7, $0xb8;
	[tilespmem:$0x8800] =	vst v63  }
0x87: {  	_ = 	snop  }
0x88: {  	[tilespmem:s18], [sflag:$0x1] =	stream.indirect.gather [hbm4b:s6+s7], $0x10, s17, s7, $0xb8;
	[tilespmem:$0x8800] =	vst v63  }
0x89: {  	_ = 	snop  }
0x8a: {  	[tilespmem:s20], [sflag:$0x1] =	stream.indirect.gather [hbm4b:s6+s7], $0x10, s19, s7, $0xb8;
	[tilespmem:$0x8800] =	vst v63  }
0x8b: {  	_ = 	snop  }
0x8c: {  	[tilespmem:s22], [sflag:$0x1] =	stream.indirect.gather [hbm4b:s6+s7], $0x10, s21, s7, $0xb8;
	[tilespmem:$0x8800] =	vst v63  }
0x8d: {  	_ = 	snop  }
0x8e: {  	[tilespmem:s24], [sflag:$0x1] =	stream.indirect.gather [hbm4b:s6+s7], $0x10, s23, s7, $0xb8;
	[tilespmem:$0x8800] =	vst v63  }
0x8f: {  	_ = 	snop  }
0x90: {  	[tilespmem:s26], [sflag:$0x1] =	stream.indirect.gather [hbm4b:s6+s7], $0x10, s25, s7, $0xb8;
	[tilespmem:$0x8800] =	vst v63  }
0x91: {  	_ = 	snop  }
0x92: {  	[tilespmem:s29], [sflag:$0x1] =	stream.indirect.gather [hbm4b:s6+s7], $0x10, s28, s7, $0xb8;
	[tilespmem:$0x8800] =	vst v63  }
0x93: {  	_ = 	snop  }
0x94: {  	[tilespmem:s31], [sflag:$0x1] =	stream.indirect.gather [hbm4b:s6+s7], $0x10, s30, s7, $0xb8;
	[tilespmem:$0x8800] =	vst v63  }
0x95: {  	_ =	swait.ge [sflag:s5], $0x800  }
0x96: {  	[sflag:s5] =	ssyncset.done $0x0  }
0x97: {  	[sflag:s5] =	ssyncadd.s32 $0xFFFFF800  }
0x98: {  	_ =	swait.ge [sflag:s5], $0x800  }
0x99: {  	[sflag:s5] =	ssyncset.done $0x0  }
0x9a: {  	[sflag:s5] =	ssyncadd.s32 $0xFFFFF800  }
0x9b: {  	_ =	swait.ge [sflag:s5], $0x800  }
0x9c: {  	[sflag:s5] =	ssyncset.done $0x0  }
0x9d: {  	[sflag:s5] =	ssyncadd.s32 $0xFFFFF800  }
0x9e: {  	_ =	swait.ge [sflag:s5], $0x800  }
0x9f: {  	[sflag:s5] =	ssyncset.done $0x0  }
0xa0: {  	[sflag:s5] =	ssyncadd.s32 $0xFFFFF800  }
0xa1: {  	_ =	swait.ge [sflag:s5], $0x800  }
0xa2: {  	[sflag:s5] =	ssyncset.done $0x0  }
0xa3: {  	[sflag:s5] =	ssyncadd.s32 $0xFFFFF800  }
0xa4: {  	_ =	swait.ge [sflag:s5], $0x800  }
0xa5: {  	[sflag:s5] =	ssyncset.done $0x0  }
0xa6: {  	[sflag:s5] =	ssyncadd.s32 $0xFFFFF800  }
0xa7: {  	_ =	swait.ge [sflag:s5], $0x800  }
0xa8: {  	[sflag:s5] =	ssyncset.done $0x0  }
0xa9: {  	[sflag:s5] =	ssyncadd.s32 $0xFFFFF800  }
0xaa: {  	_ =	swait.ge [sflag:s5], $0x800  }
0xab: {  	[sflag:s5] =	ssyncset.done $0x0  }
0xac: {  	[sflag:s5] =	ssyncadd.s32 $0xFFFFF800  }
0xad: {  	_ =	swait.ge [sflag:s5], $0x800  }
0xae: {  	[sflag:s5] =	ssyncset.done $0x0  }
0xaf: {  	[sflag:s5] =	ssyncadd.s32 $0xFFFFF800  }
0xb0: {  	_ =	swait.ge [sflag:s5], $0x800  }
0xb1: {  	[sflag:s5] =	ssyncset.done $0x0  }
0xb2: {  	[sflag:s5] =	ssyncadd.s32 $0xFFFFF800  }
0xb3: {  	_ =	swait.ge [sflag:s5], $0x800  }
0xb4: {  	[sflag:s5] =	ssyncset.done $0x0  }
0xb5: {  	[sflag:s5] =	ssyncadd.s32 $0xFFFFF800  }
0xb6: {  	_ =	swait.ge [sflag:s5], $0x800  }
0xb7: {  	[sflag:s5] =	ssyncset.done $0x0  }
0xb8: {  	[sflag:s5] =	ssyncadd.s32 $0xFFFFF800  }
0xb9: {  	_ =	swait.ge [sflag:s5], $0x800  }
0xba: {  	[sflag:s5] =	ssyncset.done $0x0  }
0xbb: {  	[sflag:s5] =	ssyncadd.s32 $0xFFFFF800  }
0xbc: {  	_ =	swait.ge [sflag:s5], $0x800  }
0xbd: {  	[sflag:s5] =	ssyncset.done $0x0  }
0xbe: {  	[sflag:s5] =	ssyncadd.s32 $0xFFFFF800  }
0xbf: {  	_ =	swait.ge [sflag:s5], $0x800  }
0xc0: {  	p1 =	sne.s32 s1, $0x1;
	[sflag:s5] =	ssyncset.done $0x0  }
.Ltmp2:
0xc1: {  	[sflag:s5] =	ssyncadd.s32 $0xFFFFF800;
	(pc) =	sbr.rel @p1 .LBB2_2-.Ltmp2, $4  }
0xc2: {  	_ =	swait.ge [sflag:s5], $0x800  }
0xc3: {  	[sflag:s5] =	ssyncset.done $0x0  }
0xc4: {  	s1 =	sadd.s32 $0xFFFFFFFF, s1;
	s10 =	rddreg [dreg:$0x4];
	[sflag:s5] =	ssyncadd.s32 $0xFFFFF800  }
0xc5: {  	[hbm4b:s10+s2] =	stream.linear.scatter [tilespmem:s4], [sflag:$0x2], $0x8000, $0x38;
	[tilespmem:$0x8800] =	vst v63  }
.LBB2_3:
0xc6: {  	_ =	swait.ge @p0 [sflag:s3], $0x8000  }
0xc7: {  	[sflag:s3] =	ssyncset.done @p0 $0x0  }
0xc8: {  	s0 =	rddreg [dreg:$0x3];
	[sflag:s3] =	ssyncadd.s32 @p0 $0xFFFF8000  }
0xc9: {  	[tilespmem:s2], [sflag:$0x2] =	stream.linear.gather [hbm4b:s0+s2], $0x800, $0x38;
	[tilespmem:$0x8800] =	vst v63  }
0xca: {  	_ =	swait.ge [sflag:s3], $0x800  }
0xcb: {  	[sflag:s3] =	ssyncset.done $0x0;
	s10 =	rddreg [dreg:$0x5]  }
0xcc: {  	s0 =	rddreg [dreg:$0x6];
	[sflag:s3] =	ssyncadd.s32 $0xFFFFF800  }
0xcd: {  	[tilespmem:s4], [sflag:$0x1] =	stream.indirect.gather [hbm4b:s6+s7], $0x10, s2, s7, $0xb8;
	[tilespmem:$0x8800] =	vst v63  }
0xce: {  	s1 =	rddreg [dreg:$0x7]  }
0xcf: {  	[tilespmem:s10], [sflag:$0x1] =	stream.indirect.gather [hbm4b:s6+s7], $0x10, s7, s7, $0xb8;
	[tilespmem:$0x8800] =	vst v63  }
0xd0: {  	s8 =	rddreg [dreg:$0x9]  }
0xd1: {  	[tilespmem:s1], [sflag:$0x1] =	stream.indirect.gather [hbm4b:s6+s7], $0x10, s0, s7, $0xb8;
	[tilespmem:$0x8800] =	vst v63  }
0xd2: {  	s9 =	rddreg [dreg:$0x8]  }
0xd3: {  	[tilespmem:s8], [sflag:$0x1] =	stream.indirect.gather [hbm4b:s6+s7], $0x10, s9, s7, $0xb8;
	[tilespmem:$0x8800] =	vst v63  }
0xd4: {  	s10 =	simm.s32 $0x2800;
	s1 =	rddreg [dreg:$0xa]  }
0xd5: {  	[tilespmem:s10], [sflag:$0x1] =	stream.indirect.gather [hbm4b:s6+s7], $0x10, s1, s7, $0xb8;
	[tilespmem:$0x8800] =	vst v63  }
0xd6: {  	s9 =	simm.s32 $0x3000;
	s10 =	simm.s32 $0x280  }
0xd7: {  	[tilespmem:s9], [sflag:$0x1] =	stream.indirect.gather [hbm4b:s6+s7], $0x10, s10, s7, $0xb8;
	[tilespmem:$0x8800] =	vst v63  }
0xd8: {  	_ = 	snop  }
0xd9: {  	[tilespmem:s12], [sflag:$0x1] =	stream.indirect.gather [hbm4b:s6+s7], $0x10, s11, s7, $0xb8;
	[tilespmem:$0x8800] =	vst v63  }
0xda: {  	_ = 	snop  }
0xdb: {  	[tilespmem:s14], [sflag:$0x1] =	stream.indirect.gather [hbm4b:s6+s7], $0x10, s13, s7, $0xb8;
	[tilespmem:$0x8800] =	vst v63  }
0xdc: {  	_ = 	snop  }
0xdd: {  	[tilespmem:s16], [sflag:$0x1] =	stream.indirect.gather [hbm4b:s6+s7], $0x10, s15, s7, $0xb8;
	[tilespmem:$0x8800] =	vst v63  }
0xde: {  	_ = 	snop  }
0xdf: {  	[tilespmem:s18], [sflag:$0x1] =	stream.indirect.gather [hbm4b:s6+s7], $0x10, s17, s7, $0xb8;
	[tilespmem:$0x8800] =	vst v63  }
0xe0: {  	_ = 	snop  }
0xe1: {  	[tilespmem:s20], [sflag:$0x1] =	stream.indirect.gather [hbm4b:s6+s7], $0x10, s19, s7, $0xb8;
	[tilespmem:$0x8800] =	vst v63  }
0xe2: {  	_ = 	snop  }
0xe3: {  	[tilespmem:s22], [sflag:$0x1] =	stream.indirect.gather [hbm4b:s6+s7], $0x10, s21, s7, $0xb8;
	[tilespmem:$0x8800] =	vst v63  }
0xe4: {  	_ = 	snop  }
0xe5: {  	[tilespmem:s24], [sflag:$0x1] =	stream.indirect.gather [hbm4b:s6+s7], $0x10, s23, s7, $0xb8;
	[tilespmem:$0x8800] =	vst v63  }
0xe6: {  	_ = 	snop  }
0xe7: {  	[tilespmem:s26], [sflag:$0x1] =	stream.indirect.gather [hbm4b:s6+s7], $0x10, s25, s7, $0xb8;
	[tilespmem:$0x8800] =	vst v63  }
0xe8: {  	_ = 	snop  }
0xe9: {  	[tilespmem:s29], [sflag:$0x1] =	stream.indirect.gather [hbm4b:s6+s7], $0x10, s28, s7, $0xb8;
	[tilespmem:$0x8800] =	vst v63  }
0xea: {  	_ = 	snop  }
0xeb: {  	[tilespmem:s31], [sflag:$0x1] =	stream.indirect.gather [hbm4b:s6+s7], $0x10, s30, s7, $0xb8;
	[tilespmem:$0x8800] =	vst v63  }
0xec: {  	_ =	swait.ge [sflag:s5], $0x800  }
0xed: {  	[sflag:s5] =	ssyncset.done $0x0  }
0xee: {  	[sflag:s5] =	ssyncadd.s32 $0xFFFFF800  }
0xef: {  	_ =	swait.ge [sflag:s5], $0x800  }
0xf0: {  	[sflag:s5] =	ssyncset.done $0x0  }
0xf1: {  	[sflag:s5] =	ssyncadd.s32 $0xFFFFF800  }
0xf2: {  	_ =	swait.ge [sflag:s5], $0x800  }
0xf3: {  	[sflag:s5] =	ssyncset.done $0x0  }
0xf4: {  	[sflag:s5] =	ssyncadd.s32 $0xFFFFF800  }
0xf5: {  	_ =	swait.ge [sflag:s5], $0x800  }
0xf6: {  	[sflag:s5] =	ssyncset.done $0x0  }
0xf7: {  	[sflag:s5] =	ssyncadd.s32 $0xFFFFF800  }
0xf8: {  	_ =	swait.ge [sflag:s5], $0x800  }
0xf9: {  	[sflag:s5] =	ssyncset.done $0x0  }
0xfa: {  	[sflag:s5] =	ssyncadd.s32 $0xFFFFF800  }
0xfb: {  	_ =	swait.ge [sflag:s5], $0x800  }
0xfc: {  	[sflag:s5] =	ssyncset.done $0x0  }
0xfd: {  	[sflag:s5] =	ssyncadd.s32 $0xFFFFF800  }
0xfe: {  	_ =	swait.ge [sflag:s5], $0x800  }
0xff: {  	[sflag:s5] =	ssyncset.done $0x0  }
0x100: {  	[sflag:s5] =	ssyncadd.s32 $0xFFFFF800  }
0x101: {  	_ =	swait.ge [sflag:s5], $0x800  }
0x102: {  	[sflag:s5] =	ssyncset.done $0x0  }
0x103: {  	[sflag:s5] =	ssyncadd.s32 $0xFFFFF800  }
0x104: {  	_ =	swait.ge [sflag:s5], $0x800  }
0x105: {  	[sflag:s5] =	ssyncset.done $0x0  }
0x106: {  	[sflag:s5] =	ssyncadd.s32 $0xFFFFF800  }
0x107: {  	_ =	swait.ge [sflag:s5], $0x800  }
0x108: {  	[sflag:s5] =	ssyncset.done $0x0  }
0x109: {  	[sflag:s5] =	ssyncadd.s32 $0xFFFFF800  }
0x10a: {  	_ =	swait.ge [sflag:s5], $0x800  }
0x10b: {  	[sflag:s5] =	ssyncset.done $0x0  }
0x10c: {  	[sflag:s5] =	ssyncadd.s32 $0xFFFFF800  }
0x10d: {  	_ =	swait.ge [sflag:s5], $0x800  }
0x10e: {  	[sflag:s5] =	ssyncset.done $0x0  }
0x10f: {  	[sflag:s5] =	ssyncadd.s32 $0xFFFFF800  }
0x110: {  	_ =	swait.ge [sflag:s5], $0x800  }
0x111: {  	[sflag:s5] =	ssyncset.done $0x0  }
0x112: {  	[sflag:s5] =	ssyncadd.s32 $0xFFFFF800  }
0x113: {  	_ =	swait.ge [sflag:s5], $0x800  }
0x114: {  	[sflag:s5] =	ssyncset.done $0x0  }
0x115: {  	[sflag:s5] =	ssyncadd.s32 $0xFFFFF800  }
0x116: {  	_ =	swait.ge [sflag:s5], $0x800  }
0x117: {  	[sflag:s5] =	ssyncset.done $0x0  }
0x118: {  	[sflag:s5] =	ssyncadd.s32 $0xFFFFF800  }
0x119: {  	_ =	swait.ge [sflag:s5], $0x800  }
0x11a: {  	[sflag:s5] =	ssyncset.done $0x0  }
0x11b: {  	s30 =	rddreg [dreg:$0x4];
	[sflag:s5] =	ssyncadd.s32 $0xFFFFF800  }
0x11c: {  	[hbm4b:s30+s2] =	stream.linear.scatter [tilespmem:s4], [sflag:$0x2], $0x8000, $0x38;
	[tilespmem:$0x8800] =	vst v63  }
0x11d: {  	_ =	swait.ge [sflag:s3], $0x8000  }
0x11e: {  	[sflag:s3] =	ssyncset.done $0x0  }
0x11f: {  	[sflag:s3] =	ssyncadd.s32 $0xFFFF8000  }
0x120: {  	_ =	sfence.sel $0x180000  }
0x121: {  	[bflag:$0x0] =	sbarrier.arrive $0xFFFF  }
0x122: {  	_ =	strace $0x90000047  }
0x123: {  	s31 =	stileid.u32;
	[bflag:$0x2] =	sbarrier.arrive $0xFFFF  }
0x124: {  	p0 =	sne.s32 s31, $0x0;
	s0 =	rddreg [dreg:$0x2]  }
0x125: {  	s0 =	sadd.s32 @!p0 $0x100000, s0  }
0x126: {  	[sflag:s0] =	ssyncadd.tile.s32 @!p0 $0x1;
	_ =	shalt  }
.Lfunc_end2:
_tile_overlayer_lowered:
.L_overlay_start_2:
0x127: {  	(tag) =	ssettag $0x2  }
0x128: {  	s0 =	rddreg [dreg:$0x0];
	s2 =	stileid.u32  }
0x129: {  	s1 =	rddreg [dreg:$0x1];
	p0 =	sne.s32 s2, $0x0  }
0x12a: {  	s3 =	rddreg [dreg:$0x2];
	[bflag:$0x3] =	sbarrier.arrive $0xFFFF;
	s2 =	simm.s32 @!p0 $0x1C02  }
0x12b: {  	[timem:s3], [sflag:s2] =	dma.local @!p0 [hbm:s0], s1  }
0x12c: {  	s0 =	simm.s32 @!p0 $0x2  }
0x12d: {  	_ =	swait.ge @!p0 [sflag:s0], s1  }
0x12e: {  	s1 =	ssub.s32 @!p0 $0x0, s1;
	[sflag:s0] =	ssyncset.done @!p0 $0x0  }
0x12f: {  	[sflag:s0] =	ssyncadd.s32 @!p0 s1  }
0x130: {  	[bflag:$0x3] =	sbarrier.arrive $0xFFFF  }
0x131: {  	_ =	shalt  }

</sc_bundles>
